<compile_context>
chip_gen: v7x
topology: tpu7x:2x2x1
jax: 0.10.2.dev20260603
libtpu: 0.0.44.dev20260713+nightly
codegen_flags: <defaults>
</compile_context>

<pallas_src>
import functools

import jax
import jax.numpy as jnp
from jax import lax
from jax.experimental import pallas as pl
from jax.experimental.pallas import tpu as pltpu
from jax.experimental.pallas import tpu_sc as plsc

NC = 2
NS = 16
NW = NC * NS
L = 16

CHUNK = 128
NSLOT = 2
CCH = 224


def _sc_body(M, B, R, mem_hbm, idx_hbm, val_hbm, out_hbm,
             idx_v, row_buf, pos_buf, table, rot16, keep16,
             cb0, cb1,
             sg0, sg1, ss0, ss1):
    tail = M - (NW - 1) * R
    n_full_last = tail // CCH
    n_full_main = R // CCH
    t_main = R - n_full_main * CCH
    t_last = tail - n_full_last * CCH

    wid = lax.axis_index("s") * NC + lax.axis_index("c")
    lo = wid * R
    hi = jnp.minimum(lo + R, M)
    iota = lax.iota(jnp.int32, L)

    cbufs = (cb0, cb1)
    gsems = (sg0, sg1)
    ssems = (ss0, ss1)

    if n_full_main == n_full_last:
        nfull = n_full_main
    else:
        nfull = jnp.where(wid == NW - 1, n_full_last, n_full_main)

    def cg(c, s):
        return pltpu.make_async_copy(
            mem_hbm.at[pl.ds(lo + c * CCH, CCH)], cbufs[s], gsems[s])

    def cs(c, s):
        return pltpu.make_async_copy(
            cbufs[s], out_hbm.at[pl.ds(lo + c * CCH, CCH)], ssems[s])

    rounds = (max(n_full_main, n_full_last) + 2 * NSLOT - 1) // NSLOT + 1

    def copy_round(r):
        for j in range(NSLOT):
            c = r * NSLOT + j
            s_cur = j
            s_prev = (j - 1) % NSLOT

            @pl.when((c >= NSLOT) & (c - NSLOT < nfull))
            def _():
                cs(c - NSLOT, s_cur).wait()

            @pl.when(c < nfull)
            def _():
                cg(c, s_cur).start()

            @pl.when((c >= 1) & (c - 1 < nfull))
            def _():
                cg(c - 1, s_prev).wait()
                cs(c - 1, s_prev).start()

    pltpu.sync_copy(idx_hbm, idx_v)

    def one_chunk(base, cursor):
        x = plsc.load_gather(idx_v, [base + iota])
        pos = base + iota
        m = (x >= lo) & (x < hi)
        mi = m.astype(jnp.int32)
        cnt = jnp.sum(mi)

        @pl.when(cnt > 0)
        def _():
            dest = cursor + jnp.cumsum(mi) - 1
            plsc.store_scatter(
                row_buf, [dest >> 7, dest & (CHUNK - 1)], x, mask=m)
            plsc.store_scatter(
                pos_buf, [dest >> 7, dest & (CHUNK - 1)], pos, mask=m)
            keep16[...] = mi

            @pl.when(cnt > 1)
            def _():
                rot16[...] = jnp.where(m, x, -1)
                dup = jnp.zeros((L,), jnp.bool_)
                for r in range(1, L):
                    y = plsc.load_gather(rot16, [(iota + r) & (L - 1)])
                    later = (iota + r) < L
                    dup = dup | (m & later & (y == x))
                keep16[...] = jnp.where(dup, 0, mi)

            keep = keep16[...] > 0
            plsc.store_scatter(table, [x - lo], pos, mask=keep)

        return cursor + cnt

    NIT = B // (2 * L)
    RS = rounds - 2
    K_INT = max(1, NIT // (RS + 1))
    assert (NIT - 1) // K_INT >= RS - 1

    def scan_body(i, cursor):
        r = i // K_INT

        @pl.when((i % K_INT == 0) & (r < RS))
        def _():
            copy_round(r)

        cursor = one_chunk(i * 2 * L, cursor)
        cursor = one_chunk(i * 2 * L + L, cursor)
        return cursor

    n_cand = lax.fori_loop(0, NIT, scan_body, jnp.int32(0))

    def win_body(c, carry):
        wcur, pad_row, pad_pos = carry
        fl = c * L + iota
        valid = fl < n_cand
        fb, fc = fl >> 7, fl & (CHUNK - 1)
        x = plsc.load_gather(row_buf, [fb, fc], mask=valid)
        p = plsc.load_gather(pos_buf, [fb, fc], mask=valid)
        w = plsc.load_gather(table, [jnp.where(valid, x - lo, 0)], mask=valid)
        keep = valid & (w == p)
        ki = keep.astype(jnp.int32)
        kcnt = jnp.sum(ki)
        dest = wcur + jnp.cumsum(ki) - 1
        plsc.store_scatter(row_buf, [dest >> 7, dest & (CHUNK - 1)], x, mask=keep)
        plsc.store_scatter(pos_buf, [dest >> 7, dest & (CHUNK - 1)], p, mask=keep)
        lmax = jnp.max(jnp.where(keep, iota, -1))
        sel = keep & (iota == lmax)
        pr = jnp.max(jnp.where(sel, x, -1))
        pp = jnp.max(jnp.where(sel, p, -1))
        pad_row = jnp.where(kcnt > 0, pr, pad_row)
        pad_pos = jnp.where(kcnt > 0, pp, pad_pos)
        return wcur + kcnt, pad_row, pad_pos

    n_win, pad_row, pad_pos = lax.fori_loop(
        0, pl.cdiv(n_cand, L), win_body,
        (jnp.int32(0), jnp.int32(0), jnp.int32(0)))

    n_tot = pl.cdiv(n_win, CHUNK) * CHUNK

    def pad_body(c, _):
        e = n_win + c * L + iota
        mm = e < n_tot
        plsc.store_scatter(
            row_buf, [e >> 7, e & (CHUNK - 1)],
            jnp.full((L,), pad_row, jnp.int32), mask=mm)
        plsc.store_scatter(
            pos_buf, [e >> 7, e & (CHUNK - 1)],
            jnp.full((L,), pad_pos, jnp.int32), mask=mm)
        return 0

    lax.fori_loop(0, pl.cdiv(n_tot - n_win, L), pad_body, 0)

    copy_round(RS)
    copy_round(RS + 1)

    def tail_copy(n_full, t_rows):
        base = lo + n_full * CCH
        pltpu.sync_copy(mem_hbm.at[pl.ds(base, t_rows)],
                        cb0.at[pl.ds(0, t_rows)])
        pltpu.sync_copy(cb0.at[pl.ds(0, t_rows)],
                        out_hbm.at[pl.ds(base, t_rows)])

    if t_main > 0:
        @pl.when(wid < NW - 1)
        def _():
            tail_copy(n_full_main, t_main)

    if t_last > 0:
        @pl.when(wid == NW - 1)
        def _():
            tail_copy(n_full_last, t_last)

    nb = n_tot // CHUNK
    rows0 = cb0.at[pl.ds(0, CHUNK)]
    rows1 = cb1.at[pl.ds(0, CHUNK)]
    sem_g0, sem_g1, sem_s0, sem_s1 = sg0, sg1, ss0, ss1

    def gather(b, rows, sem):
        pltpu.make_async_copy(
            val_hbm.at[pos_buf.at[b]], rows, sem).start()

    @pl.when(nb > 0)
    def _():
        gather(0, rows0, sem_g0)

    def pair_body(i, _):
        b = i * 2
        pltpu.make_async_copy(
            val_hbm.at[pos_buf.at[b]], rows0, sem_g0).wait()
        s0 = pltpu.make_async_copy(
            rows0, out_hbm.at[row_buf.at[b]], sem_s0)
        s0.start()

        @pl.when(b + 1 < nb)
        def _():
            gather(b + 1, rows1, sem_g1)

        s0.wait()

        @pl.when(b + 1 < nb)
        def _():
            pltpu.make_async_copy(
                val_hbm.at[pos_buf.at[b + 1]], rows1, sem_g1).wait()
            s1 = pltpu.make_async_copy(
                rows1, out_hbm.at[row_buf.at[b + 1]], sem_s1)
            s1.start()

            @pl.when(b + 2 < nb)
            def _():
                gather(b + 2, rows0, sem_g0)

            s1.wait()

        return 0

    lax.fori_loop(0, pl.cdiv(nb, 2), pair_body, 0)


def kernel(mem, idx, val):
    M, D = mem.shape
    B, _ = val.shape
    assert B % (2 * L) == 0
    R = ((M + NW - 1) // NW + 7) // 8 * 8
    assert 0 < M - (NW - 1) * R <= R and M % 8 == 0
    NB_MAX = B // CHUNK

    mesh = plsc.VectorSubcoreMesh(
        core_axis_name="c", subcore_axis_name="s", num_cores=NC)

    sc = pl.kernel(
        functools.partial(_sc_body, M, B, R),
        out_type=jax.ShapeDtypeStruct((M, D), jnp.float32),
        mesh=mesh,
        compiler_params=pltpu.CompilerParams(needs_layout_passes=False),
        scratch_types=[
            pltpu.VMEM((B,), jnp.int32),
            pltpu.VMEM((NB_MAX, CHUNK), jnp.int32),
            pltpu.VMEM((NB_MAX, CHUNK), jnp.int32),
            pltpu.VMEM((R,), jnp.int32),
            pltpu.VMEM((L,), jnp.int32),
            pltpu.VMEM((L,), jnp.int32),
            pltpu.VMEM((CCH, D), jnp.float32),
            pltpu.VMEM((CCH, D), jnp.float32),
        ] + [pltpu.SemaphoreType.DMA] * 4,
    )
    return sc(mem, idx, val)

# --- scband reference (transcript-rebuilt; emitter-appended) ---
"""Pipeline reference for scband-buffer-74509092651422 (READ-ONLY COPY).

The authoritative reference and input builder live on the scoring server;
editing this copy changes nothing except your own understanding.
"""

import jax, jax.numpy as jnp
import numpy as np

M, D, B = 200000, 128, 16384

def setup_inputs(seed: int = 0) -> dict:
    key = jax.random.key(seed)
    k1, k2, k3 = jax.random.split(key, 3)
    mem = jax.random.normal(k1, (M, D), dtype=jnp.float32)
    idx = jax.random.randint(k2, (B,), 0, M, dtype=jnp.int32)
    val = jax.random.normal(k3, (B, D), dtype=jnp.float32)
    return {"mem": mem, "idx": idx, "val": val}

def reference(mem, idx, val):
    # Core of Buffer.reservoir_sampling_update: buffer[idx_buffer] = data
    # The torch code filters idx_random < capacity (valid_indices); jax's
    # mode='drop' reproduces that filtering for out-of-range slots.
    updated = mem.at[idx].set(val, mode='drop')
    return updated

if __name__ == "__main__":
    import jax
    _d = setup_inputs()
    print(jax.jit(kernel)(*tuple(_d.values())))

</pallas_src>

<mosaic_0001>
#map = affine_map<(d0, d1) -> (0, 0)>
#map1 = affine_map<(d0, d1) -> (0)>
module attributes {stable_mosaic.version = 14 : i64} {
  func.func @_sc_body(%arg0: i32, %arg1: i32, %arg2: memref<200000x128xf32, #tpu.memory_space<hbm>>, %arg3: memref<16384xi32, #tpu.memory_space<hbm>>, %arg4: memref<16384x128xf32, #tpu.memory_space<hbm>>, %arg5: memref<200000x128xf32, #tpu.memory_space<hbm>>, %arg6: memref<16384xi32, #tpu.memory_space<vmem>>, %arg7: memref<128x128xi32, #tpu.memory_space<vmem>>, %arg8: memref<128x128xi32, #tpu.memory_space<vmem>>, %arg9: memref<6256xi32, #tpu.memory_space<vmem>>, %arg10: memref<16xi32, #tpu.memory_space<vmem>>, %arg11: memref<16xi32, #tpu.memory_space<vmem>>, %arg12: memref<224x128xf32, #tpu.memory_space<vmem>>, %arg13: memref<224x128xf32, #tpu.memory_space<vmem>>, %arg14: memref<!tpu.dma_semaphore, #tpu.memory_space<semaphore_mem>>, %arg15: memref<!tpu.dma_semaphore, #tpu.memory_space<semaphore_mem>>, %arg16: memref<!tpu.dma_semaphore, #tpu.memory_space<semaphore_mem>>, %arg17: memref<!tpu.dma_semaphore, #tpu.memory_space<semaphore_mem>>) attributes {dimension_semantics = [#tpu.dimension_semantics<core_parallel>, #tpu.dimension_semantics<subcore_parallel>], iteration_bounds = array<i64: 2, 16>, scalar_prefetch = 0 : i64, scratch_operands = 12 : i64, tpu.core_type = #tpu.core_type<sc_vector_subcore>, window_params = [{transform_indices = #map}, {transform_indices = #map1}, {transform_indices = #map}, {transform_indices = #map}]} {
    %mul3A = arith.constant 2 : i32
    %mul3A_0 = arith.muli %arg1, %mul3A : i32
    %add3A = arith.addi %mul3A_0, %arg0 : i32
    %mul3A_1 = arith.constant 6256 : i32
    %mul3A_2 = arith.muli %add3A, %mul3A_1 : i32
    %add3A_3 = arith.constant 6256 : i32
    %add3A_4 = arith.addi %mul3A_2, %add3A_3 : i32
    %min3A = arith.constant 200000 : i32
    %min3A_5 = arith.minsi %add3A_4, %min3A : i32
    %iota3A = tpu.iota {dimensions = array<i32: 0>} : vector<16xi32>
    "tpu.region"() ({
      %run_scoped3A = tpu.sem_alloc : memref<!tpu.dma_semaphore, #tpu.memory_space<semaphore_mem>>
      tpu.enqueue_dma source(%arg3 : memref<16384xi32, #tpu.memory_space<hbm>>) target(%arg6 : memref<16384xi32, #tpu.memory_space<vmem>>) target_semaphore(%run_scoped3A : memref<!tpu.dma_semaphore, #tpu.memory_space<semaphore_mem>>)
      tpu.wait_dma2 semaphore(%run_scoped3A : memref<!tpu.dma_semaphore, #tpu.memory_space<semaphore_mem>>) src(%arg3 : memref<16384xi32, #tpu.memory_space<hbm>>) dst(%arg6 : memref<16384xi32, #tpu.memory_space<vmem>>)
      tpu.yield
    }) : () -> ()
    %scan3A = arith.constant 0 : i32
    %scan3A_6 = arith.constant 0 : i32
    %scan3A_7 = arith.constant 512 : i32
    %scan3A_8 = arith.addi %scan3A_6, %scan3A_7 : i32
    %scan3A_9 = arith.constant 1 : i32
    %scan3A_10 = scf.for %scan3A_99 = %scan3A_6 to %scan3A_8 step %scan3A_9 iter_args(%scan3A_100 = %scan3A) -> (i32)  : i32 {
      %jit3A_101 = arith.constant 34 : i32
      %div3A_102 = arith.divsi %scan3A_99, %jit3A_101 : i32
      %sign3A_103 = arith.constant 0 : i32
      %sign3A_104 = arith.cmpi sgt, %scan3A_99, %sign3A_103 : i32
      %sign3A_105 = arith.extui %sign3A_104 : i1 to i32
      %sign3A_106 = arith.constant 0 : i32
      %sign3A_107 = arith.cmpi slt, %scan3A_99, %sign3A_106 : i32
      %sign3A_108 = arith.extui %sign3A_107 : i1 to i32
      %sign3A_109 = arith.subi %sign3A_105, %sign3A_108 : i32
      %sign3A_110 = arith.constant 0 : i32
      %sign3A_111 = arith.cmpi sgt, %jit3A_101, %sign3A_110 : i32
      %sign3A_112 = arith.extui %sign3A_111 : i1 to i32
      %sign3A_113 = arith.constant 0 : i32
      %sign3A_114 = arith.cmpi slt, %jit3A_101, %sign3A_113 : i32
      %sign3A_115 = arith.extui %sign3A_114 : i1 to i32
      %sign3A_116 = arith.subi %sign3A_112, %sign3A_115 : i32
      %ne3A_117 = arith.cmpi ne, %sign3A_109, %sign3A_116 : i32
      %rem3A_118 = arith.remsi %scan3A_99, %jit3A_101 : i32
      %ne3A_119 = arith.constant 0 : i32
      %ne3A_120 = arith.cmpi ne, %rem3A_118, %ne3A_119 : i32
      %and3A_121 = arith.andi %ne3A_117, %ne3A_120 : i1
      %sub3A_122 = arith.constant 1 : i32
      %sub3A_123 = arith.subi %div3A_102, %sub3A_122 : i32
      %select_n3A_124 = arith.select %and3A_121, %sub3A_123, %div3A_102 : i32
      %jit3A_125 = arith.constant 34 : i32
      %eq3A_126 = arith.constant 0 : i32
      %eq3A_127 = arith.cmpi eq, %jit3A_125, %eq3A_126 : i32
      %jit3A_128 = arith.constant 1 : i32
      %select_n3A_129 = arith.select %eq3A_127, %jit3A_128, %jit3A_125 : i32
      %rem3A_130 = arith.remsi %scan3A_99, %select_n3A_129 : i32
      %ne3A_131 = arith.constant 0 : i32
      %ne3A_132 = arith.cmpi ne, %rem3A_130, %ne3A_131 : i32
      %lt3A_133 = arith.constant 0 : i32
      %lt3A_134 = arith.cmpi slt, %rem3A_130, %lt3A_133 : i32
      %lt3A_135 = arith.constant 0 : i32
      %lt3A_136 = arith.cmpi slt, %select_n3A_129, %lt3A_135 : i32
      %ne3A_137 = arith.xori %lt3A_134, %lt3A_136 : i1
      %and3A_138 = arith.andi %ne3A_137, %ne3A_132 : i1
      %add3A_139 = arith.addi %rem3A_130, %select_n3A_129 : i32
      %select_n3A_140 = arith.select %and3A_138, %add3A_139, %rem3A_130 : i32
      %eq3A_141 = arith.constant 0 : i32
      %eq3A_142 = arith.cmpi eq, %select_n3A_140, %eq3A_141 : i32
      %lt3A_143 = arith.constant 14 : i32
      %lt3A_144 = arith.cmpi slt, %select_n3A_124, %lt3A_143 : i32
      %and3A_145 = arith.andi %eq3A_142, %lt3A_144 : i1
      %convert_element_type3A_146 = arith.extui %and3A_145 : i1 to i32
      %cond3A_147 = arith.constant 0 : i32
      %cond3A_148 = arith.cmpi ne, %convert_element_type3A_146, %cond3A_147 : i32
      scf.if %cond3A_148 {
        %mul3A_198 = arith.constant 2 : i32
        %mul3A_199 = arith.muli %select_n3A_124, %mul3A_198 : i32
        %add3A_200 = arith.constant 0 : i32
        %add3A_201 = arith.addi %mul3A_199, %add3A_200 : i32
        %ge3A_202 = arith.constant 2 : i32
        %ge3A_203 = arith.cmpi sge, %add3A_201, %ge3A_202 : i32
        %sub3A_204 = arith.constant 2 : i32
        %sub3A_205 = arith.subi %add3A_201, %sub3A_204 : i32
        %lt3A_206 = arith.constant 27 : i32
        %lt3A_207 = arith.cmpi slt, %sub3A_205, %lt3A_206 : i32
        %and3A_208 = arith.andi %ge3A_203, %lt3A_207 : i1
        %convert_element_type3A_209 = arith.extui %and3A_208 : i1 to i32
        %cond3A_210 = arith.constant 0 : i32
        %cond3A_211 = arith.cmpi ne, %convert_element_type3A_209, %cond3A_210 : i32
        scf.if %cond3A_211 {
          %sub3A_256 = arith.constant 2 : i32
          %sub3A_257 = arith.subi %add3A_201, %sub3A_256 : i32
          %mul3A_258 = arith.constant 224 : i32
          %mul3A_259 = arith.muli %sub3A_257, %mul3A_258 : i32
          %add3A_260 = arith.addi %mul3A_2, %mul3A_259 : i32
          %dma_wait3A_261 = arith.constant 0 : i32
          %dma_wait3A_262 = tpu.memref_slice %arg5[%add3A_260, %dma_wait3A_261] : memref<200000x128xf32, #tpu.memory_space<hbm>> -> memref<224x128xf32, #tpu.memory_space<hbm>>
          %dma_wait3A_263 = arith.constant 0 : i32
          %dma_wait3A_264 = tpu.memref_slice %arg5[%add3A_260, %dma_wait3A_263] : memref<200000x128xf32, #tpu.memory_space<hbm>> -> memref<224x128xf32, #tpu.memory_space<hbm>>
          tpu.wait_dma2 semaphore(%arg16 : memref<!tpu.dma_semaphore, #tpu.memory_space<semaphore_mem>>) src(%arg12 : memref<224x128xf32, #tpu.memory_space<vmem>>) dst(%dma_wait3A_264 : memref<224x128xf32, #tpu.memory_space<hbm>>)
        } else {
        }
        %lt3A_212 = arith.constant 27 : i32
        %lt3A_213 = arith.cmpi slt, %add3A_201, %lt3A_212 : i32
        %convert_element_type3A_214 = arith.extui %lt3A_213 : i1 to i32
        %cond3A_215 = arith.constant 0 : i32
        %cond3A_216 = arith.cmpi ne, %convert_element_type3A_214, %cond3A_215 : i32
        scf.if %cond3A_216 {
          %mul3A_256 = arith.constant 224 : i32
          %mul3A_257 = arith.muli %add3A_201, %mul3A_256 : i32
          %add3A_258 = arith.addi %mul3A_2, %mul3A_257 : i32
          %dma_start3A = arith.constant 0 : i32
          %dma_start3A_259 = tpu.memref_slice %arg2[%add3A_258, %dma_start3A] : memref<200000x128xf32, #tpu.memory_space<hbm>> -> memref<224x128xf32, #tpu.memory_space<hbm>>
          %dma_start3A_260 = arith.constant 0 : i32
          %dma_start3A_261 = tpu.memref_slice %arg2[%add3A_258, %dma_start3A_260] : memref<200000x128xf32, #tpu.memory_space<hbm>> -> memref<224x128xf32, #tpu.memory_space<hbm>>
          tpu.enqueue_dma source(%dma_start3A_261 : memref<224x128xf32, #tpu.memory_space<hbm>>) target(%arg12 : memref<224x128xf32, #tpu.memory_space<vmem>>) target_semaphore(%arg14 : memref<!tpu.dma_semaphore, #tpu.memory_space<semaphore_mem>>)
        } else {
        }
        %ge3A_217 = arith.constant 1 : i32
        %ge3A_218 = arith.cmpi sge, %add3A_201, %ge3A_217 : i32
        %sub3A_219 = arith.constant 1 : i32
        %sub3A_220 = arith.subi %add3A_201, %sub3A_219 : i32
        %lt3A_221 = arith.constant 27 : i32
        %lt3A_222 = arith.cmpi slt, %sub3A_220, %lt3A_221 : i32
        %and3A_223 = arith.andi %ge3A_218, %lt3A_222 : i1
        %convert_element_type3A_224 = arith.extui %and3A_223 : i1 to i32
        %cond3A_225 = arith.constant 0 : i32
        %cond3A_226 = arith.cmpi ne, %convert_element_type3A_224, %cond3A_225 : i32
        scf.if %cond3A_226 {
          %sub3A_256 = arith.constant 1 : i32
          %sub3A_257 = arith.subi %add3A_201, %sub3A_256 : i32
          %mul3A_258 = arith.constant 224 : i32
          %mul3A_259 = arith.muli %sub3A_257, %mul3A_258 : i32
          %add3A_260 = arith.addi %mul3A_2, %mul3A_259 : i32
          %dma_wait3A_261 = arith.constant 0 : i32
          %dma_wait3A_262 = tpu.memref_slice %arg2[%add3A_260, %dma_wait3A_261] : memref<200000x128xf32, #tpu.memory_space<hbm>> -> memref<224x128xf32, #tpu.memory_space<hbm>>
          %dma_wait3A_263 = arith.constant 0 : i32
          %dma_wait3A_264 = tpu.memref_slice %arg2[%add3A_260, %dma_wait3A_263] : memref<200000x128xf32, #tpu.memory_space<hbm>> -> memref<224x128xf32, #tpu.memory_space<hbm>>
          tpu.wait_dma2 semaphore(%arg15 : memref<!tpu.dma_semaphore, #tpu.memory_space<semaphore_mem>>) src(%dma_wait3A_264 : memref<224x128xf32, #tpu.memory_space<hbm>>) dst(%arg13 : memref<224x128xf32, #tpu.memory_space<vmem>>)
          %sub3A_265 = arith.constant 1 : i32
          %sub3A_266 = arith.subi %add3A_201, %sub3A_265 : i32
          %mul3A_267 = arith.constant 224 : i32
          %mul3A_268 = arith.muli %sub3A_266, %mul3A_267 : i32
          %add3A_269 = arith.addi %mul3A_2, %mul3A_268 : i32
          %dma_start3A = arith.constant 0 : i32
          %dma_start3A_270 = tpu.memref_slice %arg5[%add3A_269, %dma_start3A] : memref<200000x128xf32, #tpu.memory_space<hbm>> -> memref<224x128xf32, #tpu.memory_space<hbm>>
          %dma_start3A_271 = arith.constant 0 : i32
          %dma_start3A_272 = tpu.memref_slice %arg5[%add3A_269, %dma_start3A_271] : memref<200000x128xf32, #tpu.memory_space<hbm>> -> memref<224x128xf32, #tpu.memory_space<hbm>>
          tpu.enqueue_dma source(%arg13 : memref<224x128xf32, #tpu.memory_space<vmem>>) target(%dma_start3A_272 : memref<224x128xf32, #tpu.memory_space<hbm>>) target_semaphore(%arg17 : memref<!tpu.dma_semaphore, #tpu.memory_space<semaphore_mem>>)
        } else {
        }
        %mul3A_227 = arith.constant 2 : i32
        %mul3A_228 = arith.muli %select_n3A_124, %mul3A_227 : i32
        %add3A_229 = arith.constant 1 : i32
        %add3A_230 = arith.addi %mul3A_228, %add3A_229 : i32
        %ge3A_231 = arith.constant 2 : i32
        %ge3A_232 = arith.cmpi sge, %add3A_230, %ge3A_231 : i32
        %sub3A_233 = arith.constant 2 : i32
        %sub3A_234 = arith.subi %add3A_230, %sub3A_233 : i32
        %lt3A_235 = arith.constant 27 : i32
        %lt3A_236 = arith.cmpi slt, %sub3A_234, %lt3A_235 : i32
        %and3A_237 = arith.andi %ge3A_232, %lt3A_236 : i1
        %convert_element_type3A_238 = arith.extui %and3A_237 : i1 to i32
        %cond3A_239 = arith.constant 0 : i32
        %cond3A_240 = arith.cmpi ne, %convert_element_type3A_238, %cond3A_239 : i32
        scf.if %cond3A_240 {
          %sub3A_256 = arith.constant 2 : i32
          %sub3A_257 = arith.subi %add3A_230, %sub3A_256 : i32
          %mul3A_258 = arith.constant 224 : i32
          %mul3A_259 = arith.muli %sub3A_257, %mul3A_258 : i32
          %add3A_260 = arith.addi %mul3A_2, %mul3A_259 : i32
          %dma_wait3A_261 = arith.constant 0 : i32
          %dma_wait3A_262 = tpu.memref_slice %arg5[%add3A_260, %dma_wait3A_261] : memref<200000x128xf32, #tpu.memory_space<hbm>> -> memref<224x128xf32, #tpu.memory_space<hbm>>
          %dma_wait3A_263 = arith.constant 0 : i32
          %dma_wait3A_264 = tpu.memref_slice %arg5[%add3A_260, %dma_wait3A_263] : memref<200000x128xf32, #tpu.memory_space<hbm>> -> memref<224x128xf32, #tpu.memory_space<hbm>>
          tpu.wait_dma2 semaphore(%arg17 : memref<!tpu.dma_semaphore, #tpu.memory_space<semaphore_mem>>) src(%arg13 : memref<224x128xf32, #tpu.memory_space<vmem>>) dst(%dma_wait3A_264 : memref<224x128xf32, #tpu.memory_space<hbm>>)
        } else {
        }
        %lt3A_241 = arith.constant 27 : i32
        %lt3A_242 = arith.cmpi slt, %add3A_230, %lt3A_241 : i32
        %convert_element_type3A_243 = arith.extui %lt3A_242 : i1 to i32
        %cond3A_244 = arith.constant 0 : i32
        %cond3A_245 = arith.cmpi ne, %convert_element_type3A_243, %cond3A_244 : i32
        scf.if %cond3A_245 {
          %mul3A_256 = arith.constant 224 : i32
          %mul3A_257 = arith.muli %add3A_230, %mul3A_256 : i32
          %add3A_258 = arith.addi %mul3A_2, %mul3A_257 : i32
          %dma_start3A = arith.constant 0 : i32
          %dma_start3A_259 = tpu.memref_slice %arg2[%add3A_258, %dma_start3A] : memref<200000x128xf32, #tpu.memory_space<hbm>> -> memref<224x128xf32, #tpu.memory_space<hbm>>
          %dma_start3A_260 = arith.constant 0 : i32
          %dma_start3A_261 = tpu.memref_slice %arg2[%add3A_258, %dma_start3A_260] : memref<200000x128xf32, #tpu.memory_space<hbm>> -> memref<224x128xf32, #tpu.memory_space<hbm>>
          tpu.enqueue_dma source(%dma_start3A_261 : memref<224x128xf32, #tpu.memory_space<hbm>>) target(%arg13 : memref<224x128xf32, #tpu.memory_space<vmem>>) target_semaphore(%arg15 : memref<!tpu.dma_semaphore, #tpu.memory_space<semaphore_mem>>)
        } else {
        }
        %ge3A_246 = arith.constant 1 : i32
        %ge3A_247 = arith.cmpi sge, %add3A_230, %ge3A_246 : i32
        %sub3A_248 = arith.constant 1 : i32
        %sub3A_249 = arith.subi %add3A_230, %sub3A_248 : i32
        %lt3A_250 = arith.constant 27 : i32
        %lt3A_251 = arith.cmpi slt, %sub3A_249, %lt3A_250 : i32
        %and3A_252 = arith.andi %ge3A_247, %lt3A_251 : i1
        %convert_element_type3A_253 = arith.extui %and3A_252 : i1 to i32
        %cond3A_254 = arith.constant 0 : i32
        %cond3A_255 = arith.cmpi ne, %convert_element_type3A_253, %cond3A_254 : i32
        scf.if %cond3A_255 {
          %sub3A_256 = arith.constant 1 : i32
          %sub3A_257 = arith.subi %add3A_230, %sub3A_256 : i32
          %mul3A_258 = arith.constant 224 : i32
          %mul3A_259 = arith.muli %sub3A_257, %mul3A_258 : i32
          %add3A_260 = arith.addi %mul3A_2, %mul3A_259 : i32
          %dma_wait3A_261 = arith.constant 0 : i32
          %dma_wait3A_262 = tpu.memref_slice %arg2[%add3A_260, %dma_wait3A_261] : memref<200000x128xf32, #tpu.memory_space<hbm>> -> memref<224x128xf32, #tpu.memory_space<hbm>>
          %dma_wait3A_263 = arith.constant 0 : i32
          %dma_wait3A_264 = tpu.memref_slice %arg2[%add3A_260, %dma_wait3A_263] : memref<200000x128xf32, #tpu.memory_space<hbm>> -> memref<224x128xf32, #tpu.memory_space<hbm>>
          tpu.wait_dma2 semaphore(%arg14 : memref<!tpu.dma_semaphore, #tpu.memory_space<semaphore_mem>>) src(%dma_wait3A_264 : memref<224x128xf32, #tpu.memory_space<hbm>>) dst(%arg12 : memref<224x128xf32, #tpu.memory_space<vmem>>)
          %sub3A_265 = arith.constant 1 : i32
          %sub3A_266 = arith.subi %add3A_230, %sub3A_265 : i32
          %mul3A_267 = arith.constant 224 : i32
          %mul3A_268 = arith.muli %sub3A_266, %mul3A_267 : i32
          %add3A_269 = arith.addi %mul3A_2, %mul3A_268 : i32
          %dma_start3A = arith.constant 0 : i32
          %dma_start3A_270 = tpu.memref_slice %arg5[%add3A_269, %dma_start3A] : memref<200000x128xf32, #tpu.memory_space<hbm>> -> memref<224x128xf32, #tpu.memory_space<hbm>>
          %dma_start3A_271 = arith.constant 0 : i32
          %dma_start3A_272 = tpu.memref_slice %arg5[%add3A_269, %dma_start3A_271] : memref<200000x128xf32, #tpu.memory_space<hbm>> -> memref<224x128xf32, #tpu.memory_space<hbm>>
          tpu.enqueue_dma source(%arg12 : memref<224x128xf32, #tpu.memory_space<vmem>>) target(%dma_start3A_272 : memref<224x128xf32, #tpu.memory_space<hbm>>) target_semaphore(%arg16 : memref<!tpu.dma_semaphore, #tpu.memory_space<semaphore_mem>>)
        } else {
        }
      } else {
      }
      %mul3A_149 = arith.constant 2 : i32
      %mul3A_150 = arith.muli %scan3A_99, %mul3A_149 : i32
      %mul3A_151 = arith.constant 16 : i32
      %mul3A_152 = arith.muli %mul3A_150, %mul3A_151 : i32
      %add3A_153 = vector.broadcast %mul3A_152 : i32 to vector<16xi32>
      %add3A_154 = arith.addi %add3A_153, %iota3A : vector<16xi32>
      %gather3A = tpu.vector_load_idx %arg6[%add3A_154] : memref<16384xi32, #tpu.memory_space<vmem>>[vector<16xi32>], vector<16xi32>,
      %add3A_155 = vector.broadcast %mul3A_152 : i32 to vector<16xi32>
      %add3A_156 = arith.addi %add3A_155, %iota3A : vector<16xi32>
      %ge3A = vector.broadcast %mul3A_2 : i32 to vector<16xi32>
      %ge3A_157 = arith.cmpi sge, %gather3A, %ge3A : vector<16xi32>
      %lt3A_158 = vector.broadcast %min3A_5 : i32 to vector<16xi32>
      %lt3A_159 = arith.cmpi slt, %gather3A, %lt3A_158 : vector<16xi32>
      %and3A_160 = arith.andi %ge3A_157, %lt3A_159 : vector<16xi1>
      %convert_element_type3A_161 = arith.extui %and3A_160 : vector<16xi1> to vector<16xi32>
      %reduce_sum3A = arith.constant true
      %reduce_sum3A_162 = vector.broadcast %reduce_sum3A : i1 to vector<16xi1>
      %reduce_sum3A_163 = tpu.scan <sum>, %convert_element_type3A_161 masked %reduce_sum3A_162 : vector<16xi32>, vector<16xi1> -> vector<16xi32>
      %reduce_sum3A_164 = vector.extract %reduce_sum3A_163[15] : i32 from vector<16xi32>
      %gt3A_165 = arith.constant 0 : i32
      %gt3A_166 = arith.cmpi sgt, %reduce_sum3A_164, %gt3A_165 : i32
      %convert_element_type3A_167 = arith.extui %gt3A_166 : i1 to i32
      %cond3A_168 = arith.constant 0 : i32
      %cond3A_169 = arith.cmpi ne, %convert_element_type3A_167, %cond3A_168 : i32
      scf.if %cond3A_169 {
        %cumsum3A = arith.constant true
        %cumsum3A_198 = vector.broadcast %cumsum3A : i1 to vector<16xi1>
        %cumsum3A_199 = tpu.scan <sum>, %convert_element_type3A_161 masked %cumsum3A_198 : vector<16xi32>, vector<16xi1> -> vector<16xi32>
        %add3A_200 = vector.broadcast %scan3A_100 : i32 to vector<16xi32>
        %add3A_201 = arith.addi %add3A_200, %cumsum3A_199 : vector<16xi32>
        %sub3A_202 = arith.constant 1 : i32
        %sub3A_203 = vector.broadcast %sub3A_202 : i32 to vector<16xi32>
        %sub3A_204 = arith.subi %add3A_201, %sub3A_203 : vector<16xi32>
        %shift_right_arithmetic3A = arith.constant 7 : i32
        %shift_right_arithmetic3A_205 = vector.broadcast %shift_right_arithmetic3A : i32 to vector<16xi32>
        %shift_right_arithmetic3A_206 = arith.shrsi %sub3A_204, %shift_right_arithmetic3A_205 : vector<16xi32>
        %and3A_207 = arith.constant 127 : i32
        %and3A_208 = vector.broadcast %and3A_207 : i32 to vector<16xi32>
        %and3A_209 = arith.andi %sub3A_204, %and3A_208 : vector<16xi32>
        tpu.vector_store_idx %arg7[%shift_right_arithmetic3A_206, %and3A_209], %gather3A masked %and3A_160 : memref<128x128xi32, #tpu.memory_space<vmem>>[vector<16xi32>, vector<16xi32>], vector<16xi32>, vector<16xi1>
        %shift_right_arithmetic3A_210 = arith.constant 7 : i32
        %shift_right_arithmetic3A_211 = vector.broadcast %shift_right_arithmetic3A_210 : i32 to vector<16xi32>
        %shift_right_arithmetic3A_212 = arith.shrsi %sub3A_204, %shift_right_arithmetic3A_211 : vector<16xi32>
        %and3A_213 = arith.constant 127 : i32
        %and3A_214 = vector.broadcast %and3A_213 : i32 to vector<16xi32>
        %and3A_215 = arith.andi %sub3A_204, %and3A_214 : vector<16xi32>
        tpu.vector_store_idx %arg8[%shift_right_arithmetic3A_212, %and3A_215], %add3A_156 masked %and3A_160 : memref<128x128xi32, #tpu.memory_space<vmem>>[vector<16xi32>, vector<16xi32>], vector<16xi32>, vector<16xi1>
        %swap3A = arith.constant 0 : index
        %swap3A_216 = tpu.vector_load %arg11[%swap3A] {strides = array<i32>} : memref<16xi32, #tpu.memory_space<vmem>>, vector<16xi32>,
        tpu.vector_store %arg11[%swap3A], %convert_element_type3A_161 {strides = array<i32>} : memref<16xi32, #tpu.memory_space<vmem>>, vector<16xi32>,
        %gt3A_217 = arith.constant 1 : i32
        %gt3A_218 = arith.cmpi sgt, %reduce_sum3A_164, %gt3A_217 : i32
        %convert_element_type3A_219 = arith.extui %gt3A_218 : i1 to i32
        %cond3A_220 = arith.constant 0 : i32
        %cond3A_221 = arith.cmpi ne, %convert_element_type3A_219, %cond3A_220 : i32
        scf.if %cond3A_221 {
          %jit3A_228 = arith.constant -1 : i32
          %broadcast_in_dim3A = vector.broadcast %jit3A_228 : i32 to vector<16xi32>
          %select_n3A_229 = arith.select %and3A_160, %gather3A, %broadcast_in_dim3A : vector<16xi1>, vector<16xi32>
          %swap3A_230 = arith.constant 0 : index
          %swap3A_231 = tpu.vector_load %arg10[%swap3A_230] {strides = array<i32>} : memref<16xi32, #tpu.memory_space<vmem>>, vector<16xi32>,
          tpu.vector_store %arg10[%swap3A_230], %select_n3A_229 {strides = array<i32>} : memref<16xi32, #tpu.memory_space<vmem>>, vector<16xi32>,
          %broadcast_in_dim3A_232 = arith.constant false
          %broadcast_in_dim3A_233 = vector.broadcast %broadcast_in_dim3A_232 : i1 to vector<16xi1>
          %add3A_234 = arith.constant 1 : i32
          %add3A_235 = vector.broadcast %add3A_234 : i32 to vector<16xi32>
          %add3A_236 = arith.addi %iota3A, %add3A_235 : vector<16xi32>
          %and3A_237 = arith.constant 15 : i32
          %and3A_238 = vector.broadcast %and3A_237 : i32 to vector<16xi32>
          %and3A_239 = arith.andi %add3A_236, %and3A_238 : vector<16xi32>
          %gather3A_240 = tpu.vector_load_idx %arg10[%and3A_239] : memref<16xi32, #tpu.memory_space<vmem>>[vector<16xi32>], vector<16xi32>,
          %add3A_241 = arith.constant 1 : i32
          %add3A_242 = vector.broadcast %add3A_241 : i32 to vector<16xi32>
          %add3A_243 = arith.addi %iota3A, %add3A_242 : vector<16xi32>
          %lt3A_244 = arith.constant 16 : i32
          %lt3A_245 = vector.broadcast %lt3A_244 : i32 to vector<16xi32>
          %lt3A_246 = arith.cmpi slt, %add3A_243, %lt3A_245 : vector<16xi32>
          %and3A_247 = arith.andi %and3A_160, %lt3A_246 : vector<16xi1>
          %eq3A_248 = arith.cmpi eq, %gather3A_240, %gather3A : vector<16xi32>
          %and3A_249 = arith.andi %and3A_247, %eq3A_248 : vector<16xi1>
          %or3A = arith.ori %broadcast_in_dim3A_233, %and3A_249 : vector<16xi1>
          %add3A_250 = arith.constant 2 : i32
          %add3A_251 = vector.broadcast %add3A_250 : i32 to vector<16xi32>
          %add3A_252 = arith.addi %iota3A, %add3A_251 : vector<16xi32>
          %and3A_253 = arith.constant 15 : i32
          %and3A_254 = vector.broadcast %and3A_253 : i32 to vector<16xi32>
          %and3A_255 = arith.andi %add3A_252, %and3A_254 : vector<16xi32>
          %gather3A_256 = tpu.vector_load_idx %arg10[%and3A_255] : memref<16xi32, #tpu.memory_space<vmem>>[vector<16xi32>], vector<16xi32>,
          %add3A_257 = arith.constant 2 : i32
          %add3A_258 = vector.broadcast %add3A_257 : i32 to vector<16xi32>
          %add3A_259 = arith.addi %iota3A, %add3A_258 : vector<16xi32>
          %lt3A_260 = arith.constant 16 : i32
          %lt3A_261 = vector.broadcast %lt3A_260 : i32 to vector<16xi32>
          %lt3A_262 = arith.cmpi slt, %add3A_259, %lt3A_261 : vector<16xi32>
          %and3A_263 = arith.andi %and3A_160, %lt3A_262 : vector<16xi1>
          %eq3A_264 = arith.cmpi eq, %gather3A_256, %gather3A : vector<16xi32>
          %and3A_265 = arith.andi %and3A_263, %eq3A_264 : vector<16xi1>
          %or3A_266 = arith.ori %or3A, %and3A_265 : vector<16xi1>
          %add3A_267 = arith.constant 3 : i32
          %add3A_268 = vector.broadcast %add3A_267 : i32 to vector<16xi32>
          %add3A_269 = arith.addi %iota3A, %add3A_268 : vector<16xi32>
          %and3A_270 = arith.constant 15 : i32
          %and3A_271 = vector.broadcast %and3A_270 : i32 to vector<16xi32>
          %and3A_272 = arith.andi %add3A_269, %and3A_271 : vector<16xi32>
          %gather3A_273 = tpu.vector_load_idx %arg10[%and3A_272] : memref<16xi32, #tpu.memory_space<vmem>>[vector<16xi32>], vector<16xi32>,
          %add3A_274 = arith.constant 3 : i32
          %add3A_275 = vector.broadcast %add3A_274 : i32 to vector<16xi32>
          %add3A_276 = arith.addi %iota3A, %add3A_275 : vector<16xi32>
          %lt3A_277 = arith.constant 16 : i32
          %lt3A_278 = vector.broadcast %lt3A_277 : i32 to vector<16xi32>
          %lt3A_279 = arith.cmpi slt, %add3A_276, %lt3A_278 : vector<16xi32>
          %and3A_280 = arith.andi %and3A_160, %lt3A_279 : vector<16xi1>
          %eq3A_281 = arith.cmpi eq, %gather3A_273, %gather3A : vector<16xi32>
          %and3A_282 = arith.andi %and3A_280, %eq3A_281 : vector<16xi1>
          %or3A_283 = arith.ori %or3A_266, %and3A_282 : vector<16xi1>
          %add3A_284 = arith.constant 4 : i32
          %add3A_285 = vector.broadcast %add3A_284 : i32 to vector<16xi32>
          %add3A_286 = arith.addi %iota3A, %add3A_285 : vector<16xi32>
          %and3A_287 = arith.constant 15 : i32
          %and3A_288 = vector.broadcast %and3A_287 : i32 to vector<16xi32>
          %and3A_289 = arith.andi %add3A_286, %and3A_288 : vector<16xi32>
          %gather3A_290 = tpu.vector_load_idx %arg10[%and3A_289] : memref<16xi32, #tpu.memory_space<vmem>>[vector<16xi32>], vector<16xi32>,
          %add3A_291 = arith.constant 4 : i32
          %add3A_292 = vector.broadcast %add3A_291 : i32 to vector<16xi32>
          %add3A_293 = arith.addi %iota3A, %add3A_292 : vector<16xi32>
          %lt3A_294 = arith.constant 16 : i32
          %lt3A_295 = vector.broadcast %lt3A_294 : i32 to vector<16xi32>
          %lt3A_296 = arith.cmpi slt, %add3A_293, %lt3A_295 : vector<16xi32>
          %and3A_297 = arith.andi %and3A_160, %lt3A_296 : vector<16xi1>
          %eq3A_298 = arith.cmpi eq, %gather3A_290, %gather3A : vector<16xi32>
          %and3A_299 = arith.andi %and3A_297, %eq3A_298 : vector<16xi1>
          %or3A_300 = arith.ori %or3A_283, %and3A_299 : vector<16xi1>
          %add3A_301 = arith.constant 5 : i32
          %add3A_302 = vector.broadcast %add3A_301 : i32 to vector<16xi32>
          %add3A_303 = arith.addi %iota3A, %add3A_302 : vector<16xi32>
          %and3A_304 = arith.constant 15 : i32
          %and3A_305 = vector.broadcast %and3A_304 : i32 to vector<16xi32>
          %and3A_306 = arith.andi %add3A_303, %and3A_305 : vector<16xi32>
          %gather3A_307 = tpu.vector_load_idx %arg10[%and3A_306] : memref<16xi32, #tpu.memory_space<vmem>>[vector<16xi32>], vector<16xi32>,
          %add3A_308 = arith.constant 5 : i32
          %add3A_309 = vector.broadcast %add3A_308 : i32 to vector<16xi32>
          %add3A_310 = arith.addi %iota3A, %add3A_309 : vector<16xi32>
          %lt3A_311 = arith.constant 16 : i32
          %lt3A_312 = vector.broadcast %lt3A_311 : i32 to vector<16xi32>
          %lt3A_313 = arith.cmpi slt, %add3A_310, %lt3A_312 : vector<16xi32>
          %and3A_314 = arith.andi %and3A_160, %lt3A_313 : vector<16xi1>
          %eq3A_315 = arith.cmpi eq, %gather3A_307, %gather3A : vector<16xi32>
          %and3A_316 = arith.andi %and3A_314, %eq3A_315 : vector<16xi1>
          %or3A_317 = arith.ori %or3A_300, %and3A_316 : vector<16xi1>
          %add3A_318 = arith.constant 6 : i32
          %add3A_319 = vector.broadcast %add3A_318 : i32 to vector<16xi32>
          %add3A_320 = arith.addi %iota3A, %add3A_319 : vector<16xi32>
          %and3A_321 = arith.constant 15 : i32
          %and3A_322 = vector.broadcast %and3A_321 : i32 to vector<16xi32>
          %and3A_323 = arith.andi %add3A_320, %and3A_322 : vector<16xi32>
          %gather3A_324 = tpu.vector_load_idx %arg10[%and3A_323] : memref<16xi32, #tpu.memory_space<vmem>>[vector<16xi32>], vector<16xi32>,
          %add3A_325 = arith.constant 6 : i32
          %add3A_326 = vector.broadcast %add3A_325 : i32 to vector<16xi32>
          %add3A_327 = arith.addi %iota3A, %add3A_326 : vector<16xi32>
          %lt3A_328 = arith.constant 16 : i32
          %lt3A_329 = vector.broadcast %lt3A_328 : i32 to vector<16xi32>
          %lt3A_330 = arith.cmpi slt, %add3A_327, %lt3A_329 : vector<16xi32>
          %and3A_331 = arith.andi %and3A_160, %lt3A_330 : vector<16xi1>
          %eq3A_332 = arith.cmpi eq, %gather3A_324, %gather3A : vector<16xi32>
          %and3A_333 = arith.andi %and3A_331, %eq3A_332 : vector<16xi1>
          %or3A_334 = arith.ori %or3A_317, %and3A_333 : vector<16xi1>
          %add3A_335 = arith.constant 7 : i32
          %add3A_336 = vector.broadcast %add3A_335 : i32 to vector<16xi32>
          %add3A_337 = arith.addi %iota3A, %add3A_336 : vector<16xi32>
          %and3A_338 = arith.constant 15 : i32
          %and3A_339 = vector.broadcast %and3A_338 : i32 to vector<16xi32>
          %and3A_340 = arith.andi %add3A_337, %and3A_339 : vector<16xi32>
          %gather3A_341 = tpu.vector_load_idx %arg10[%and3A_340] : memref<16xi32, #tpu.memory_space<vmem>>[vector<16xi32>], vector<16xi32>,
          %add3A_342 = arith.constant 7 : i32
          %add3A_343 = vector.broadcast %add3A_342 : i32 to vector<16xi32>
          %add3A_344 = arith.addi %iota3A, %add3A_343 : vector<16xi32>
          %lt3A_345 = arith.constant 16 : i32
          %lt3A_346 = vector.broadcast %lt3A_345 : i32 to vector<16xi32>
          %lt3A_347 = arith.cmpi slt, %add3A_344, %lt3A_346 : vector<16xi32>
          %and3A_348 = arith.andi %and3A_160, %lt3A_347 : vector<16xi1>
          %eq3A_349 = arith.cmpi eq, %gather3A_341, %gather3A : vector<16xi32>
          %and3A_350 = arith.andi %and3A_348, %eq3A_349 : vector<16xi1>
          %or3A_351 = arith.ori %or3A_334, %and3A_350 : vector<16xi1>
          %add3A_352 = arith.constant 8 : i32
          %add3A_353 = vector.broadcast %add3A_352 : i32 to vector<16xi32>
          %add3A_354 = arith.addi %iota3A, %add3A_353 : vector<16xi32>
          %and3A_355 = arith.constant 15 : i32
          %and3A_356 = vector.broadcast %and3A_355 : i32 to vector<16xi32>
          %and3A_357 = arith.andi %add3A_354, %and3A_356 : vector<16xi32>
          %gather3A_358 = tpu.vector_load_idx %arg10[%and3A_357] : memref<16xi32, #tpu.memory_space<vmem>>[vector<16xi32>], vector<16xi32>,
          %add3A_359 = arith.constant 8 : i32
          %add3A_360 = vector.broadcast %add3A_359 : i32 to vector<16xi32>
          %add3A_361 = arith.addi %iota3A, %add3A_360 : vector<16xi32>
          %lt3A_362 = arith.constant 16 : i32
          %lt3A_363 = vector.broadcast %lt3A_362 : i32 to vector<16xi32>
          %lt3A_364 = arith.cmpi slt, %add3A_361, %lt3A_363 : vector<16xi32>
          %and3A_365 = arith.andi %and3A_160, %lt3A_364 : vector<16xi1>
          %eq3A_366 = arith.cmpi eq, %gather3A_358, %gather3A : vector<16xi32>
          %and3A_367 = arith.andi %and3A_365, %eq3A_366 : vector<16xi1>
          %or3A_368 = arith.ori %or3A_351, %and3A_367 : vector<16xi1>
          %add3A_369 = arith.constant 9 : i32
          %add3A_370 = vector.broadcast %add3A_369 : i32 to vector<16xi32>
          %add3A_371 = arith.addi %iota3A, %add3A_370 : vector<16xi32>
          %and3A_372 = arith.constant 15 : i32
          %and3A_373 = vector.broadcast %and3A_372 : i32 to vector<16xi32>
          %and3A_374 = arith.andi %add3A_371, %and3A_373 : vector<16xi32>
          %gather3A_375 = tpu.vector_load_idx %arg10[%and3A_374] : memref<16xi32, #tpu.memory_space<vmem>>[vector<16xi32>], vector<16xi32>,
          %add3A_376 = arith.constant 9 : i32
          %add3A_377 = vector.broadcast %add3A_376 : i32 to vector<16xi32>
          %add3A_378 = arith.addi %iota3A, %add3A_377 : vector<16xi32>
          %lt3A_379 = arith.constant 16 : i32
          %lt3A_380 = vector.broadcast %lt3A_379 : i32 to vector<16xi32>
          %lt3A_381 = arith.cmpi slt, %add3A_378, %lt3A_380 : vector<16xi32>
          %and3A_382 = arith.andi %and3A_160, %lt3A_381 : vector<16xi1>
          %eq3A_383 = arith.cmpi eq, %gather3A_375, %gather3A : vector<16xi32>
          %and3A_384 = arith.andi %and3A_382, %eq3A_383 : vector<16xi1>
          %or3A_385 = arith.ori %or3A_368, %and3A_384 : vector<16xi1>
          %add3A_386 = arith.constant 10 : i32
          %add3A_387 = vector.broadcast %add3A_386 : i32 to vector<16xi32>
          %add3A_388 = arith.addi %iota3A, %add3A_387 : vector<16xi32>
          %and3A_389 = arith.constant 15 : i32
          %and3A_390 = vector.broadcast %and3A_389 : i32 to vector<16xi32>
          %and3A_391 = arith.andi %add3A_388, %and3A_390 : vector<16xi32>
          %gather3A_392 = tpu.vector_load_idx %arg10[%and3A_391] : memref<16xi32, #tpu.memory_space<vmem>>[vector<16xi32>], vector<16xi32>,
          %add3A_393 = arith.constant 10 : i32
          %add3A_394 = vector.broadcast %add3A_393 : i32 to vector<16xi32>
          %add3A_395 = arith.addi %iota3A, %add3A_394 : vector<16xi32>
          %lt3A_396 = arith.constant 16 : i32
          %lt3A_397 = vector.broadcast %lt3A_396 : i32 to vector<16xi32>
          %lt3A_398 = arith.cmpi slt, %add3A_395, %lt3A_397 : vector<16xi32>
          %and3A_399 = arith.andi %and3A_160, %lt3A_398 : vector<16xi1>
          %eq3A_400 = arith.cmpi eq, %gather3A_392, %gather3A : vector<16xi32>
          %and3A_401 = arith.andi %and3A_399, %eq3A_400 : vector<16xi1>
          %or3A_402 = arith.ori %or3A_385, %and3A_401 : vector<16xi1>
          %add3A_403 = arith.constant 11 : i32
          %add3A_404 = vector.broadcast %add3A_403 : i32 to vector<16xi32>
          %add3A_405 = arith.addi %iota3A, %add3A_404 : vector<16xi32>
          %and3A_406 = arith.constant 15 : i32
          %and3A_407 = vector.broadcast %and3A_406 : i32 to vector<16xi32>
          %and3A_408 = arith.andi %add3A_405, %and3A_407 : vector<16xi32>
          %gather3A_409 = tpu.vector_load_idx %arg10[%and3A_408] : memref<16xi32, #tpu.memory_space<vmem>>[vector<16xi32>], vector<16xi32>,
          %add3A_410 = arith.constant 11 : i32
          %add3A_411 = vector.broadcast %add3A_410 : i32 to vector<16xi32>
          %add3A_412 = arith.addi %iota3A, %add3A_411 : vector<16xi32>
          %lt3A_413 = arith.constant 16 : i32
          %lt3A_414 = vector.broadcast %lt3A_413 : i32 to vector<16xi32>
          %lt3A_415 = arith.cmpi slt, %add3A_412, %lt3A_414 : vector<16xi32>
          %and3A_416 = arith.andi %and3A_160, %lt3A_415 : vector<16xi1>
          %eq3A_417 = arith.cmpi eq, %gather3A_409, %gather3A : vector<16xi32>
          %and3A_418 = arith.andi %and3A_416, %eq3A_417 : vector<16xi1>
          %or3A_419 = arith.ori %or3A_402, %and3A_418 : vector<16xi1>
          %add3A_420 = arith.constant 12 : i32
          %add3A_421 = vector.broadcast %add3A_420 : i32 to vector<16xi32>
          %add3A_422 = arith.addi %iota3A, %add3A_421 : vector<16xi32>
          %and3A_423 = arith.constant 15 : i32
          %and3A_424 = vector.broadcast %and3A_423 : i32 to vector<16xi32>
          %and3A_425 = arith.andi %add3A_422, %and3A_424 : vector<16xi32>
          %gather3A_426 = tpu.vector_load_idx %arg10[%and3A_425] : memref<16xi32, #tpu.memory_space<vmem>>[vector<16xi32>], vector<16xi32>,
          %add3A_427 = arith.constant 12 : i32
          %add3A_428 = vector.broadcast %add3A_427 : i32 to vector<16xi32>
          %add3A_429 = arith.addi %iota3A, %add3A_428 : vector<16xi32>
          %lt3A_430 = arith.constant 16 : i32
          %lt3A_431 = vector.broadcast %lt3A_430 : i32 to vector<16xi32>
          %lt3A_432 = arith.cmpi slt, %add3A_429, %lt3A_431 : vector<16xi32>
          %and3A_433 = arith.andi %and3A_160, %lt3A_432 : vector<16xi1>
          %eq3A_434 = arith.cmpi eq, %gather3A_426, %gather3A : vector<16xi32>
          %and3A_435 = arith.andi %and3A_433, %eq3A_434 : vector<16xi1>
          %or3A_436 = arith.ori %or3A_419, %and3A_435 : vector<16xi1>
          %add3A_437 = arith.constant 13 : i32
          %add3A_438 = vector.broadcast %add3A_437 : i32 to vector<16xi32>
          %add3A_439 = arith.addi %iota3A, %add3A_438 : vector<16xi32>
          %and3A_440 = arith.constant 15 : i32
          %and3A_441 = vector.broadcast %and3A_440 : i32 to vector<16xi32>
          %and3A_442 = arith.andi %add3A_439, %and3A_441 : vector<16xi32>
          %gather3A_443 = tpu.vector_load_idx %arg10[%and3A_442] : memref<16xi32, #tpu.memory_space<vmem>>[vector<16xi32>], vector<16xi32>,
          %add3A_444 = arith.constant 13 : i32
          %add3A_445 = vector.broadcast %add3A_444 : i32 to vector<16xi32>
          %add3A_446 = arith.addi %iota3A, %add3A_445 : vector<16xi32>
          %lt3A_447 = arith.constant 16 : i32
          %lt3A_448 = vector.broadcast %lt3A_447 : i32 to vector<16xi32>
          %lt3A_449 = arith.cmpi slt, %add3A_446, %lt3A_448 : vector<16xi32>
          %and3A_450 = arith.andi %and3A_160, %lt3A_449 : vector<16xi1>
          %eq3A_451 = arith.cmpi eq, %gather3A_443, %gather3A : vector<16xi32>
          %and3A_452 = arith.andi %and3A_450, %eq3A_451 : vector<16xi1>
          %or3A_453 = arith.ori %or3A_436, %and3A_452 : vector<16xi1>
          %add3A_454 = arith.constant 14 : i32
          %add3A_455 = vector.broadcast %add3A_454 : i32 to vector<16xi32>
          %add3A_456 = arith.addi %iota3A, %add3A_455 : vector<16xi32>
          %and3A_457 = arith.constant 15 : i32
          %and3A_458 = vector.broadcast %and3A_457 : i32 to vector<16xi32>
          %and3A_459 = arith.andi %add3A_456, %and3A_458 : vector<16xi32>
          %gather3A_460 = tpu.vector_load_idx %arg10[%and3A_459] : memref<16xi32, #tpu.memory_space<vmem>>[vector<16xi32>], vector<16xi32>,
          %add3A_461 = arith.constant 14 : i32
          %add3A_462 = vector.broadcast %add3A_461 : i32 to vector<16xi32>
          %add3A_463 = arith.addi %iota3A, %add3A_462 : vector<16xi32>
          %lt3A_464 = arith.constant 16 : i32
          %lt3A_465 = vector.broadcast %lt3A_464 : i32 to vector<16xi32>
          %lt3A_466 = arith.cmpi slt, %add3A_463, %lt3A_465 : vector<16xi32>
          %and3A_467 = arith.andi %and3A_160, %lt3A_466 : vector<16xi1>
          %eq3A_468 = arith.cmpi eq, %gather3A_460, %gather3A : vector<16xi32>
          %and3A_469 = arith.andi %and3A_467, %eq3A_468 : vector<16xi1>
          %or3A_470 = arith.ori %or3A_453, %and3A_469 : vector<16xi1>
          %add3A_471 = arith.constant 15 : i32
          %add3A_472 = vector.broadcast %add3A_471 : i32 to vector<16xi32>
          %add3A_473 = arith.addi %iota3A, %add3A_472 : vector<16xi32>
          %and3A_474 = arith.constant 15 : i32
          %and3A_475 = vector.broadcast %and3A_474 : i32 to vector<16xi32>
          %and3A_476 = arith.andi %add3A_473, %and3A_475 : vector<16xi32>
          %gather3A_477 = tpu.vector_load_idx %arg10[%and3A_476] : memref<16xi32, #tpu.memory_space<vmem>>[vector<16xi32>], vector<16xi32>,
          %add3A_478 = arith.constant 15 : i32
          %add3A_479 = vector.broadcast %add3A_478 : i32 to vector<16xi32>
          %add3A_480 = arith.addi %iota3A, %add3A_479 : vector<16xi32>
          %lt3A_481 = arith.constant 16 : i32
          %lt3A_482 = vector.broadcast %lt3A_481 : i32 to vector<16xi32>
          %lt3A_483 = arith.cmpi slt, %add3A_480, %lt3A_482 : vector<16xi32>
          %and3A_484 = arith.andi %and3A_160, %lt3A_483 : vector<16xi1>
          %eq3A_485 = arith.cmpi eq, %gather3A_477, %gather3A : vector<16xi32>
          %and3A_486 = arith.andi %and3A_484, %eq3A_485 : vector<16xi1>
          %or3A_487 = arith.ori %or3A_470, %and3A_486 : vector<16xi1>
          %jit3A_488 = arith.constant 0 : i32
          %broadcast_in_dim3A_489 = vector.broadcast %jit3A_488 : i32 to vector<16xi32>
          %select_n3A_490 = arith.select %or3A_487, %broadcast_in_dim3A_489, %convert_element_type3A_161 : vector<16xi1>, vector<16xi32>
          %swap3A_491 = arith.constant 0 : index
          %swap3A_492 = tpu.vector_load %arg11[%swap3A_491] {strides = array<i32>} : memref<16xi32, #tpu.memory_space<vmem>>, vector<16xi32>,
          tpu.vector_store %arg11[%swap3A_491], %select_n3A_490 {strides = array<i32>} : memref<16xi32, #tpu.memory_space<vmem>>, vector<16xi32>,
        } else {
        }
        %get3A = arith.constant 0 : index
        %get3A_222 = tpu.vector_load %arg11[%get3A] {strides = array<i32>} : memref<16xi32, #tpu.memory_space<vmem>>, vector<16xi32>,
        %gt3A_223 = arith.constant 0 : i32
        %gt3A_224 = vector.broadcast %gt3A_223 : i32 to vector<16xi32>
        %gt3A_225 = arith.cmpi sgt, %get3A_222, %gt3A_224 : vector<16xi32>
        %sub3A_226 = vector.broadcast %mul3A_2 : i32 to vector<16xi32>
        %sub3A_227 = arith.subi %gather3A, %sub3A_226 : vector<16xi32>
        tpu.vector_store_idx %arg9[%sub3A_227], %add3A_156 masked %gt3A_225 : memref<6256xi32, #tpu.memory_space<vmem>>[vector<16xi32>], vector<16xi32>, vector<16xi1>
      } else {
      }
      %add3A_170 = arith.addi %scan3A_100, %reduce_sum3A_164 : i32
      %mul3A_171 = arith.constant 2 : i32
      %mul3A_172 = arith.muli %scan3A_99, %mul3A_171 : i32
      %mul3A_173 = arith.constant 16 : i32
      %mul3A_174 = arith.muli %mul3A_172, %mul3A_173 : i32
      %add3A_175 = arith.constant 16 : i32
      %add3A_176 = arith.addi %mul3A_174, %add3A_175 : i32
      %add3A_177 = vector.broadcast %add3A_176 : i32 to vector<16xi32>
      %add3A_178 = arith.addi %add3A_177, %iota3A : vector<16xi32>
      %gather3A_179 = tpu.vector_load_idx %arg6[%add3A_178] : memref<16384xi32, #tpu.memory_space<vmem>>[vector<16xi32>], vector<16xi32>,
      %add3A_180 = vector.broadcast %add3A_176 : i32 to vector<16xi32>
      %add3A_181 = arith.addi %add3A_180, %iota3A : vector<16xi32>
      %ge3A_182 = vector.broadcast %mul3A_2 : i32 to vector<16xi32>
      %ge3A_183 = arith.cmpi sge, %gather3A_179, %ge3A_182 : vector<16xi32>
      %lt3A_184 = vector.broadcast %min3A_5 : i32 to vector<16xi32>
      %lt3A_185 = arith.cmpi slt, %gather3A_179, %lt3A_184 : vector<16xi32>
      %and3A_186 = arith.andi %ge3A_183, %lt3A_185 : vector<16xi1>
      %convert_element_type3A_187 = arith.extui %and3A_186 : vector<16xi1> to vector<16xi32>
      %reduce_sum3A_188 = arith.constant true
      %reduce_sum3A_189 = vector.broadcast %reduce_sum3A_188 : i1 to vector<16xi1>
      %reduce_sum3A_190 = tpu.scan <sum>, %convert_element_type3A_187 masked %reduce_sum3A_189 : vector<16xi32>, vector<16xi1> -> vector<16xi32>
      %reduce_sum3A_191 = vector.extract %reduce_sum3A_190[15] : i32 from vector<16xi32>
      %gt3A_192 = arith.constant 0 : i32
      %gt3A_193 = arith.cmpi sgt, %reduce_sum3A_191, %gt3A_192 : i32
      %convert_element_type3A_194 = arith.extui %gt3A_193 : i1 to i32
      %cond3A_195 = arith.constant 0 : i32
      %cond3A_196 = arith.cmpi ne, %convert_element_type3A_194, %cond3A_195 : i32
      scf.if %cond3A_196 {
        %cumsum3A = arith.constant true
        %cumsum3A_198 = vector.broadcast %cumsum3A : i1 to vector<16xi1>
        %cumsum3A_199 = tpu.scan <sum>, %convert_element_type3A_187 masked %cumsum3A_198 : vector<16xi32>, vector<16xi1> -> vector<16xi32>
        %add3A_200 = vector.broadcast %add3A_170 : i32 to vector<16xi32>
        %add3A_201 = arith.addi %add3A_200, %cumsum3A_199 : vector<16xi32>
        %sub3A_202 = arith.constant 1 : i32
        %sub3A_203 = vector.broadcast %sub3A_202 : i32 to vector<16xi32>
        %sub3A_204 = arith.subi %add3A_201, %sub3A_203 : vector<16xi32>
        %shift_right_arithmetic3A = arith.constant 7 : i32
        %shift_right_arithmetic3A_205 = vector.broadcast %shift_right_arithmetic3A : i32 to vector<16xi32>
        %shift_right_arithmetic3A_206 = arith.shrsi %sub3A_204, %shift_right_arithmetic3A_205 : vector<16xi32>
        %and3A_207 = arith.constant 127 : i32
        %and3A_208 = vector.broadcast %and3A_207 : i32 to vector<16xi32>
        %and3A_209 = arith.andi %sub3A_204, %and3A_208 : vector<16xi32>
        tpu.vector_store_idx %arg7[%shift_right_arithmetic3A_206, %and3A_209], %gather3A_179 masked %and3A_186 : memref<128x128xi32, #tpu.memory_space<vmem>>[vector<16xi32>, vector<16xi32>], vector<16xi32>, vector<16xi1>
        %shift_right_arithmetic3A_210 = arith.constant 7 : i32
        %shift_right_arithmetic3A_211 = vector.broadcast %shift_right_arithmetic3A_210 : i32 to vector<16xi32>
        %shift_right_arithmetic3A_212 = arith.shrsi %sub3A_204, %shift_right_arithmetic3A_211 : vector<16xi32>
        %and3A_213 = arith.constant 127 : i32
        %and3A_214 = vector.broadcast %and3A_213 : i32 to vector<16xi32>
        %and3A_215 = arith.andi %sub3A_204, %and3A_214 : vector<16xi32>
        tpu.vector_store_idx %arg8[%shift_right_arithmetic3A_212, %and3A_215], %add3A_181 masked %and3A_186 : memref<128x128xi32, #tpu.memory_space<vmem>>[vector<16xi32>, vector<16xi32>], vector<16xi32>, vector<16xi1>
        %swap3A = arith.constant 0 : index
        %swap3A_216 = tpu.vector_load %arg11[%swap3A] {strides = array<i32>} : memref<16xi32, #tpu.memory_space<vmem>>, vector<16xi32>,
        tpu.vector_store %arg11[%swap3A], %convert_element_type3A_187 {strides = array<i32>} : memref<16xi32, #tpu.memory_space<vmem>>, vector<16xi32>,
        %gt3A_217 = arith.constant 1 : i32
        %gt3A_218 = arith.cmpi sgt, %reduce_sum3A_191, %gt3A_217 : i32
        %convert_element_type3A_219 = arith.extui %gt3A_218 : i1 to i32
        %cond3A_220 = arith.constant 0 : i32
        %cond3A_221 = arith.cmpi ne, %convert_element_type3A_219, %cond3A_220 : i32
        scf.if %cond3A_221 {
          %jit3A_228 = arith.constant -1 : i32
          %broadcast_in_dim3A = vector.broadcast %jit3A_228 : i32 to vector<16xi32>
          %select_n3A_229 = arith.select %and3A_186, %gather3A_179, %broadcast_in_dim3A : vector<16xi1>, vector<16xi32>
          %swap3A_230 = arith.constant 0 : index
          %swap3A_231 = tpu.vector_load %arg10[%swap3A_230] {strides = array<i32>} : memref<16xi32, #tpu.memory_space<vmem>>, vector<16xi32>,
          tpu.vector_store %arg10[%swap3A_230], %select_n3A_229 {strides = array<i32>} : memref<16xi32, #tpu.memory_space<vmem>>, vector<16xi32>,
          %broadcast_in_dim3A_232 = arith.constant false
          %broadcast_in_dim3A_233 = vector.broadcast %broadcast_in_dim3A_232 : i1 to vector<16xi1>
          %add3A_234 = arith.constant 1 : i32
          %add3A_235 = vector.broadcast %add3A_234 : i32 to vector<16xi32>
          %add3A_236 = arith.addi %iota3A, %add3A_235 : vector<16xi32>
          %and3A_237 = arith.constant 15 : i32
          %and3A_238 = vector.broadcast %and3A_237 : i32 to vector<16xi32>
          %and3A_239 = arith.andi %add3A_236, %and3A_238 : vector<16xi32>
          %gather3A_240 = tpu.vector_load_idx %arg10[%and3A_239] : memref<16xi32, #tpu.memory_space<vmem>>[vector<16xi32>], vector<16xi32>,
          %add3A_241 = arith.constant 1 : i32
          %add3A_242 = vector.broadcast %add3A_241 : i32 to vector<16xi32>
          %add3A_243 = arith.addi %iota3A, %add3A_242 : vector<16xi32>
          %lt3A_244 = arith.constant 16 : i32
          %lt3A_245 = vector.broadcast %lt3A_244 : i32 to vector<16xi32>
          %lt3A_246 = arith.cmpi slt, %add3A_243, %lt3A_245 : vector<16xi32>
          %and3A_247 = arith.andi %and3A_186, %lt3A_246 : vector<16xi1>
          %eq3A_248 = arith.cmpi eq, %gather3A_240, %gather3A_179 : vector<16xi32>
          %and3A_249 = arith.andi %and3A_247, %eq3A_248 : vector<16xi1>
          %or3A = arith.ori %broadcast_in_dim3A_233, %and3A_249 : vector<16xi1>
          %add3A_250 = arith.constant 2 : i32
          %add3A_251 = vector.broadcast %add3A_250 : i32 to vector<16xi32>
          %add3A_252 = arith.addi %iota3A, %add3A_251 : vector<16xi32>
          %and3A_253 = arith.constant 15 : i32
          %and3A_254 = vector.broadcast %and3A_253 : i32 to vector<16xi32>
          %and3A_255 = arith.andi %add3A_252, %and3A_254 : vector<16xi32>
          %gather3A_256 = tpu.vector_load_idx %arg10[%and3A_255] : memref<16xi32, #tpu.memory_space<vmem>>[vector<16xi32>], vector<16xi32>,
          %add3A_257 = arith.constant 2 : i32
          %add3A_258 = vector.broadcast %add3A_257 : i32 to vector<16xi32>
          %add3A_259 = arith.addi %iota3A, %add3A_258 : vector<16xi32>
          %lt3A_260 = arith.constant 16 : i32
          %lt3A_261 = vector.broadcast %lt3A_260 : i32 to vector<16xi32>
          %lt3A_262 = arith.cmpi slt, %add3A_259, %lt3A_261 : vector<16xi32>
          %and3A_263 = arith.andi %and3A_186, %lt3A_262 : vector<16xi1>
          %eq3A_264 = arith.cmpi eq, %gather3A_256, %gather3A_179 : vector<16xi32>
          %and3A_265 = arith.andi %and3A_263, %eq3A_264 : vector<16xi1>
          %or3A_266 = arith.ori %or3A, %and3A_265 : vector<16xi1>
          %add3A_267 = arith.constant 3 : i32
          %add3A_268 = vector.broadcast %add3A_267 : i32 to vector<16xi32>
          %add3A_269 = arith.addi %iota3A, %add3A_268 : vector<16xi32>
          %and3A_270 = arith.constant 15 : i32
          %and3A_271 = vector.broadcast %and3A_270 : i32 to vector<16xi32>
          %and3A_272 = arith.andi %add3A_269, %and3A_271 : vector<16xi32>
          %gather3A_273 = tpu.vector_load_idx %arg10[%and3A_272] : memref<16xi32, #tpu.memory_space<vmem>>[vector<16xi32>], vector<16xi32>,
          %add3A_274 = arith.constant 3 : i32
          %add3A_275 = vector.broadcast %add3A_274 : i32 to vector<16xi32>
          %add3A_276 = arith.addi %iota3A, %add3A_275 : vector<16xi32>
          %lt3A_277 = arith.constant 16 : i32
          %lt3A_278 = vector.broadcast %lt3A_277 : i32 to vector<16xi32>
          %lt3A_279 = arith.cmpi slt, %add3A_276, %lt3A_278 : vector<16xi32>
          %and3A_280 = arith.andi %and3A_186, %lt3A_279 : vector<16xi1>
          %eq3A_281 = arith.cmpi eq, %gather3A_273, %gather3A_179 : vector<16xi32>
          %and3A_282 = arith.andi %and3A_280, %eq3A_281 : vector<16xi1>
          %or3A_283 = arith.ori %or3A_266, %and3A_282 : vector<16xi1>
          %add3A_284 = arith.constant 4 : i32
          %add3A_285 = vector.broadcast %add3A_284 : i32 to vector<16xi32>
          %add3A_286 = arith.addi %iota3A, %add3A_285 : vector<16xi32>
          %and3A_287 = arith.constant 15 : i32
          %and3A_288 = vector.broadcast %and3A_287 : i32 to vector<16xi32>
          %and3A_289 = arith.andi %add3A_286, %and3A_288 : vector<16xi32>
          %gather3A_290 = tpu.vector_load_idx %arg10[%and3A_289] : memref<16xi32, #tpu.memory_space<vmem>>[vector<16xi32>], vector<16xi32>,
          %add3A_291 = arith.constant 4 : i32
          %add3A_292 = vector.broadcast %add3A_291 : i32 to vector<16xi32>
          %add3A_293 = arith.addi %iota3A, %add3A_292 : vector<16xi32>
          %lt3A_294 = arith.constant 16 : i32
          %lt3A_295 = vector.broadcast %lt3A_294 : i32 to vector<16xi32>
          %lt3A_296 = arith.cmpi slt, %add3A_293, %lt3A_295 : vector<16xi32>
          %and3A_297 = arith.andi %and3A_186, %lt3A_296 : vector<16xi1>
          %eq3A_298 = arith.cmpi eq, %gather3A_290, %gather3A_179 : vector<16xi32>
          %and3A_299 = arith.andi %and3A_297, %eq3A_298 : vector<16xi1>
          %or3A_300 = arith.ori %or3A_283, %and3A_299 : vector<16xi1>
          %add3A_301 = arith.constant 5 : i32
          %add3A_302 = vector.broadcast %add3A_301 : i32 to vector<16xi32>
          %add3A_303 = arith.addi %iota3A, %add3A_302 : vector<16xi32>
          %and3A_304 = arith.constant 15 : i32
          %and3A_305 = vector.broadcast %and3A_304 : i32 to vector<16xi32>
          %and3A_306 = arith.andi %add3A_303, %and3A_305 : vector<16xi32>
          %gather3A_307 = tpu.vector_load_idx %arg10[%and3A_306] : memref<16xi32, #tpu.memory_space<vmem>>[vector<16xi32>], vector<16xi32>,
          %add3A_308 = arith.constant 5 : i32
          %add3A_309 = vector.broadcast %add3A_308 : i32 to vector<16xi32>
          %add3A_310 = arith.addi %iota3A, %add3A_309 : vector<16xi32>
          %lt3A_311 = arith.constant 16 : i32
          %lt3A_312 = vector.broadcast %lt3A_311 : i32 to vector<16xi32>
          %lt3A_313 = arith.cmpi slt, %add3A_310, %lt3A_312 : vector<16xi32>
          %and3A_314 = arith.andi %and3A_186, %lt3A_313 : vector<16xi1>
          %eq3A_315 = arith.cmpi eq, %gather3A_307, %gather3A_179 : vector<16xi32>
          %and3A_316 = arith.andi %and3A_314, %eq3A_315 : vector<16xi1>
          %or3A_317 = arith.ori %or3A_300, %and3A_316 : vector<16xi1>
          %add3A_318 = arith.constant 6 : i32
          %add3A_319 = vector.broadcast %add3A_318 : i32 to vector<16xi32>
          %add3A_320 = arith.addi %iota3A, %add3A_319 : vector<16xi32>
          %and3A_321 = arith.constant 15 : i32
          %and3A_322 = vector.broadcast %and3A_321 : i32 to vector<16xi32>
          %and3A_323 = arith.andi %add3A_320, %and3A_322 : vector<16xi32>
          %gather3A_324 = tpu.vector_load_idx %arg10[%and3A_323] : memref<16xi32, #tpu.memory_space<vmem>>[vector<16xi32>], vector<16xi32>,
          %add3A_325 = arith.constant 6 : i32
          %add3A_326 = vector.broadcast %add3A_325 : i32 to vector<16xi32>
          %add3A_327 = arith.addi %iota3A, %add3A_326 : vector<16xi32>
          %lt3A_328 = arith.constant 16 : i32
          %lt3A_329 = vector.broadcast %lt3A_328 : i32 to vector<16xi32>
          %lt3A_330 = arith.cmpi slt, %add3A_327, %lt3A_329 : vector<16xi32>
          %and3A_331 = arith.andi %and3A_186, %lt3A_330 : vector<16xi1>
          %eq3A_332 = arith.cmpi eq, %gather3A_324, %gather3A_179 : vector<16xi32>
          %and3A_333 = arith.andi %and3A_331, %eq3A_332 : vector<16xi1>
          %or3A_334 = arith.ori %or3A_317, %and3A_333 : vector<16xi1>
          %add3A_335 = arith.constant 7 : i32
          %add3A_336 = vector.broadcast %add3A_335 : i32 to vector<16xi32>
          %add3A_337 = arith.addi %iota3A, %add3A_336 : vector<16xi32>
          %and3A_338 = arith.constant 15 : i32
          %and3A_339 = vector.broadcast %and3A_338 : i32 to vector<16xi32>
          %and3A_340 = arith.andi %add3A_337, %and3A_339 : vector<16xi32>
          %gather3A_341 = tpu.vector_load_idx %arg10[%and3A_340] : memref<16xi32, #tpu.memory_space<vmem>>[vector<16xi32>], vector<16xi32>,
          %add3A_342 = arith.constant 7 : i32
          %add3A_343 = vector.broadcast %add3A_342 : i32 to vector<16xi32>
          %add3A_344 = arith.addi %iota3A, %add3A_343 : vector<16xi32>
          %lt3A_345 = arith.constant 16 : i32
          %lt3A_346 = vector.broadcast %lt3A_345 : i32 to vector<16xi32>
          %lt3A_347 = arith.cmpi slt, %add3A_344, %lt3A_346 : vector<16xi32>
          %and3A_348 = arith.andi %and3A_186, %lt3A_347 : vector<16xi1>
          %eq3A_349 = arith.cmpi eq, %gather3A_341, %gather3A_179 : vector<16xi32>
          %and3A_350 = arith.andi %and3A_348, %eq3A_349 : vector<16xi1>
          %or3A_351 = arith.ori %or3A_334, %and3A_350 : vector<16xi1>
          %add3A_352 = arith.constant 8 : i32
          %add3A_353 = vector.broadcast %add3A_352 : i32 to vector<16xi32>
          %add3A_354 = arith.addi %iota3A, %add3A_353 : vector<16xi32>
          %and3A_355 = arith.constant 15 : i32
          %and3A_356 = vector.broadcast %and3A_355 : i32 to vector<16xi32>
          %and3A_357 = arith.andi %add3A_354, %and3A_356 : vector<16xi32>
          %gather3A_358 = tpu.vector_load_idx %arg10[%and3A_357] : memref<16xi32, #tpu.memory_space<vmem>>[vector<16xi32>], vector<16xi32>,
          %add3A_359 = arith.constant 8 : i32
          %add3A_360 = vector.broadcast %add3A_359 : i32 to vector<16xi32>
          %add3A_361 = arith.addi %iota3A, %add3A_360 : vector<16xi32>
          %lt3A_362 = arith.constant 16 : i32
          %lt3A_363 = vector.broadcast %lt3A_362 : i32 to vector<16xi32>
          %lt3A_364 = arith.cmpi slt, %add3A_361, %lt3A_363 : vector<16xi32>
          %and3A_365 = arith.andi %and3A_186, %lt3A_364 : vector<16xi1>
          %eq3A_366 = arith.cmpi eq, %gather3A_358, %gather3A_179 : vector<16xi32>
          %and3A_367 = arith.andi %and3A_365, %eq3A_366 : vector<16xi1>
          %or3A_368 = arith.ori %or3A_351, %and3A_367 : vector<16xi1>
          %add3A_369 = arith.constant 9 : i32
          %add3A_370 = vector.broadcast %add3A_369 : i32 to vector<16xi32>
          %add3A_371 = arith.addi %iota3A, %add3A_370 : vector<16xi32>
          %and3A_372 = arith.constant 15 : i32
          %and3A_373 = vector.broadcast %and3A_372 : i32 to vector<16xi32>
          %and3A_374 = arith.andi %add3A_371, %and3A_373 : vector<16xi32>
          %gather3A_375 = tpu.vector_load_idx %arg10[%and3A_374] : memref<16xi32, #tpu.memory_space<vmem>>[vector<16xi32>], vector<16xi32>,
          %add3A_376 = arith.constant 9 : i32
          %add3A_377 = vector.broadcast %add3A_376 : i32 to vector<16xi32>
          %add3A_378 = arith.addi %iota3A, %add3A_377 : vector<16xi32>
          %lt3A_379 = arith.constant 16 : i32
          %lt3A_380 = vector.broadcast %lt3A_379 : i32 to vector<16xi32>
          %lt3A_381 = arith.cmpi slt, %add3A_378, %lt3A_380 : vector<16xi32>
          %and3A_382 = arith.andi %and3A_186, %lt3A_381 : vector<16xi1>
          %eq3A_383 = arith.cmpi eq, %gather3A_375, %gather3A_179 : vector<16xi32>
          %and3A_384 = arith.andi %and3A_382, %eq3A_383 : vector<16xi1>
          %or3A_385 = arith.ori %or3A_368, %and3A_384 : vector<16xi1>
          %add3A_386 = arith.constant 10 : i32
          %add3A_387 = vector.broadcast %add3A_386 : i32 to vector<16xi32>
          %add3A_388 = arith.addi %iota3A, %add3A_387 : vector<16xi32>
          %and3A_389 = arith.constant 15 : i32
          %and3A_390 = vector.broadcast %and3A_389 : i32 to vector<16xi32>
          %and3A_391 = arith.andi %add3A_388, %and3A_390 : vector<16xi32>
          %gather3A_392 = tpu.vector_load_idx %arg10[%and3A_391] : memref<16xi32, #tpu.memory_space<vmem>>[vector<16xi32>], vector<16xi32>,
          %add3A_393 = arith.constant 10 : i32
          %add3A_394 = vector.broadcast %add3A_393 : i32 to vector<16xi32>
          %add3A_395 = arith.addi %iota3A, %add3A_394 : vector<16xi32>
          %lt3A_396 = arith.constant 16 : i32
          %lt3A_397 = vector.broadcast %lt3A_396 : i32 to vector<16xi32>
          %lt3A_398 = arith.cmpi slt, %add3A_395, %lt3A_397 : vector<16xi32>
          %and3A_399 = arith.andi %and3A_186, %lt3A_398 : vector<16xi1>
          %eq3A_400 = arith.cmpi eq, %gather3A_392, %gather3A_179 : vector<16xi32>
          %and3A_401 = arith.andi %and3A_399, %eq3A_400 : vector<16xi1>
          %or3A_402 = arith.ori %or3A_385, %and3A_401 : vector<16xi1>
          %add3A_403 = arith.constant 11 : i32
          %add3A_404 = vector.broadcast %add3A_403 : i32 to vector<16xi32>
          %add3A_405 = arith.addi %iota3A, %add3A_404 : vector<16xi32>
          %and3A_406 = arith.constant 15 : i32
          %and3A_407 = vector.broadcast %and3A_406 : i32 to vector<16xi32>
          %and3A_408 = arith.andi %add3A_405, %and3A_407 : vector<16xi32>
          %gather3A_409 = tpu.vector_load_idx %arg10[%and3A_408] : memref<16xi32, #tpu.memory_space<vmem>>[vector<16xi32>], vector<16xi32>,
          %add3A_410 = arith.constant 11 : i32
          %add3A_411 = vector.broadcast %add3A_410 : i32 to vector<16xi32>
          %add3A_412 = arith.addi %iota3A, %add3A_411 : vector<16xi32>
          %lt3A_413 = arith.constant 16 : i32
          %lt3A_414 = vector.broadcast %lt3A_413 : i32 to vector<16xi32>
          %lt3A_415 = arith.cmpi slt, %add3A_412, %lt3A_414 : vector<16xi32>
          %and3A_416 = arith.andi %and3A_186, %lt3A_415 : vector<16xi1>
          %eq3A_417 = arith.cmpi eq, %gather3A_409, %gather3A_179 : vector<16xi32>
          %and3A_418 = arith.andi %and3A_416, %eq3A_417 : vector<16xi1>
          %or3A_419 = arith.ori %or3A_402, %and3A_418 : vector<16xi1>
          %add3A_420 = arith.constant 12 : i32
          %add3A_421 = vector.broadcast %add3A_420 : i32 to vector<16xi32>
          %add3A_422 = arith.addi %iota3A, %add3A_421 : vector<16xi32>
          %and3A_423 = arith.constant 15 : i32
          %and3A_424 = vector.broadcast %and3A_423 : i32 to vector<16xi32>
          %and3A_425 = arith.andi %add3A_422, %and3A_424 : vector<16xi32>
          %gather3A_426 = tpu.vector_load_idx %arg10[%and3A_425] : memref<16xi32, #tpu.memory_space<vmem>>[vector<16xi32>], vector<16xi32>,
          %add3A_427 = arith.constant 12 : i32
          %add3A_428 = vector.broadcast %add3A_427 : i32 to vector<16xi32>
          %add3A_429 = arith.addi %iota3A, %add3A_428 : vector<16xi32>
          %lt3A_430 = arith.constant 16 : i32
          %lt3A_431 = vector.broadcast %lt3A_430 : i32 to vector<16xi32>
          %lt3A_432 = arith.cmpi slt, %add3A_429, %lt3A_431 : vector<16xi32>
          %and3A_433 = arith.andi %and3A_186, %lt3A_432 : vector<16xi1>
          %eq3A_434 = arith.cmpi eq, %gather3A_426, %gather3A_179 : vector<16xi32>
          %and3A_435 = arith.andi %and3A_433, %eq3A_434 : vector<16xi1>
          %or3A_436 = arith.ori %or3A_419, %and3A_435 : vector<16xi1>
          %add3A_437 = arith.constant 13 : i32
          %add3A_438 = vector.broadcast %add3A_437 : i32 to vector<16xi32>
          %add3A_439 = arith.addi %iota3A, %add3A_438 : vector<16xi32>
          %and3A_440 = arith.constant 15 : i32
          %and3A_441 = vector.broadcast %and3A_440 : i32 to vector<16xi32>
          %and3A_442 = arith.andi %add3A_439, %and3A_441 : vector<16xi32>
          %gather3A_443 = tpu.vector_load_idx %arg10[%and3A_442] : memref<16xi32, #tpu.memory_space<vmem>>[vector<16xi32>], vector<16xi32>,
          %add3A_444 = arith.constant 13 : i32
          %add3A_445 = vector.broadcast %add3A_444 : i32 to vector<16xi32>
          %add3A_446 = arith.addi %iota3A, %add3A_445 : vector<16xi32>
          %lt3A_447 = arith.constant 16 : i32
          %lt3A_448 = vector.broadcast %lt3A_447 : i32 to vector<16xi32>
          %lt3A_449 = arith.cmpi slt, %add3A_446, %lt3A_448 : vector<16xi32>
          %and3A_450 = arith.andi %and3A_186, %lt3A_449 : vector<16xi1>
          %eq3A_451 = arith.cmpi eq, %gather3A_443, %gather3A_179 : vector<16xi32>
          %and3A_452 = arith.andi %and3A_450, %eq3A_451 : vector<16xi1>
          %or3A_453 = arith.ori %or3A_436, %and3A_452 : vector<16xi1>
          %add3A_454 = arith.constant 14 : i32
          %add3A_455 = vector.broadcast %add3A_454 : i32 to vector<16xi32>
          %add3A_456 = arith.addi %iota3A, %add3A_455 : vector<16xi32>
          %and3A_457 = arith.constant 15 : i32
          %and3A_458 = vector.broadcast %and3A_457 : i32 to vector<16xi32>
          %and3A_459 = arith.andi %add3A_456, %and3A_458 : vector<16xi32>
          %gather3A_460 = tpu.vector_load_idx %arg10[%and3A_459] : memref<16xi32, #tpu.memory_space<vmem>>[vector<16xi32>], vector<16xi32>,
          %add3A_461 = arith.constant 14 : i32
          %add3A_462 = vector.broadcast %add3A_461 : i32 to vector<16xi32>
          %add3A_463 = arith.addi %iota3A, %add3A_462 : vector<16xi32>
          %lt3A_464 = arith.constant 16 : i32
          %lt3A_465 = vector.broadcast %lt3A_464 : i32 to vector<16xi32>
          %lt3A_466 = arith.cmpi slt, %add3A_463, %lt3A_465 : vector<16xi32>
          %and3A_467 = arith.andi %and3A_186, %lt3A_466 : vector<16xi1>
          %eq3A_468 = arith.cmpi eq, %gather3A_460, %gather3A_179 : vector<16xi32>
          %and3A_469 = arith.andi %and3A_467, %eq3A_468 : vector<16xi1>
          %or3A_470 = arith.ori %or3A_453, %and3A_469 : vector<16xi1>
          %add3A_471 = arith.constant 15 : i32
          %add3A_472 = vector.broadcast %add3A_471 : i32 to vector<16xi32>
          %add3A_473 = arith.addi %iota3A, %add3A_472 : vector<16xi32>
          %and3A_474 = arith.constant 15 : i32
          %and3A_475 = vector.broadcast %and3A_474 : i32 to vector<16xi32>
          %and3A_476 = arith.andi %add3A_473, %and3A_475 : vector<16xi32>
          %gather3A_477 = tpu.vector_load_idx %arg10[%and3A_476] : memref<16xi32, #tpu.memory_space<vmem>>[vector<16xi32>], vector<16xi32>,
          %add3A_478 = arith.constant 15 : i32
          %add3A_479 = vector.broadcast %add3A_478 : i32 to vector<16xi32>
          %add3A_480 = arith.addi %iota3A, %add3A_479 : vector<16xi32>
          %lt3A_481 = arith.constant 16 : i32
          %lt3A_482 = vector.broadcast %lt3A_481 : i32 to vector<16xi32>
          %lt3A_483 = arith.cmpi slt, %add3A_480, %lt3A_482 : vector<16xi32>
          %and3A_484 = arith.andi %and3A_186, %lt3A_483 : vector<16xi1>
          %eq3A_485 = arith.cmpi eq, %gather3A_477, %gather3A_179 : vector<16xi32>
          %and3A_486 = arith.andi %and3A_484, %eq3A_485 : vector<16xi1>
          %or3A_487 = arith.ori %or3A_470, %and3A_486 : vector<16xi1>
          %jit3A_488 = arith.constant 0 : i32
          %broadcast_in_dim3A_489 = vector.broadcast %jit3A_488 : i32 to vector<16xi32>
          %select_n3A_490 = arith.select %or3A_487, %broadcast_in_dim3A_489, %convert_element_type3A_187 : vector<16xi1>, vector<16xi32>
          %swap3A_491 = arith.constant 0 : index
          %swap3A_492 = tpu.vector_load %arg11[%swap3A_491] {strides = array<i32>} : memref<16xi32, #tpu.memory_space<vmem>>, vector<16xi32>,
          tpu.vector_store %arg11[%swap3A_491], %select_n3A_490 {strides = array<i32>} : memref<16xi32, #tpu.memory_space<vmem>>, vector<16xi32>,
        } else {
        }
        %get3A = arith.constant 0 : index
        %get3A_222 = tpu.vector_load %arg11[%get3A] {strides = array<i32>} : memref<16xi32, #tpu.memory_space<vmem>>, vector<16xi32>,
        %gt3A_223 = arith.constant 0 : i32
        %gt3A_224 = vector.broadcast %gt3A_223 : i32 to vector<16xi32>
        %gt3A_225 = arith.cmpi sgt, %get3A_222, %gt3A_224 : vector<16xi32>
        %sub3A_226 = vector.broadcast %mul3A_2 : i32 to vector<16xi32>
        %sub3A_227 = arith.subi %gather3A_179, %sub3A_226 : vector<16xi32>
        tpu.vector_store_idx %arg9[%sub3A_227], %add3A_181 masked %gt3A_225 : memref<6256xi32, #tpu.memory_space<vmem>>[vector<16xi32>], vector<16xi32>, vector<16xi1>
      } else {
      }
      %add3A_197 = arith.addi %add3A_170, %reduce_sum3A_191 : i32
      scf.yield %add3A_197 : i32
    }
    %scan3A_11 = arith.constant 512 : i32
    %add3A_12 = arith.constant 15 : i32
    %add3A_13 = arith.addi %scan3A_10, %add3A_12 : i32
    %div3A = arith.constant 16 : i32
    %div3A_14 = arith.divsi %add3A_13, %div3A : i32
    %while3A = arith.constant 0 : i32
    %while3A_15 = arith.constant 0 : i32
    %while3A_16 = arith.constant 0 : i32
    %while3A_17 = arith.constant 0 : i32
    %while3A_18 = arith.subi %div3A_14, %while3A : i32
    %while3A_19 = arith.addi %while3A, %while3A_18 : i32
    %while3A_20 = arith.constant 1 : i32
    %while3A_21 = arith.divsi %while3A_18, %while3A_20 : i32
    %while3A_22 = arith.muli %while3A_21, %while3A_20 : i32
    %while3A_23 = arith.addi %while3A, %while3A_22 : i32
    %while3A_24 = arith.constant 1 : i32
    %while3A_25:3 = scf.for %while3A_99 = %while3A to %while3A_23 step %while3A_24 iter_args(%while3A_100 = %while3A_15, %while3A_101 = %while3A_16, %while3A_102 = %while3A_17) -> (i32, i32, i32)  : i32 {
      %mul3A_103 = arith.constant 16 : i32
      %mul3A_104 = arith.muli %while3A_99, %mul3A_103 : i32
      %add3A_105 = vector.broadcast %mul3A_104 : i32 to vector<16xi32>
      %add3A_106 = arith.addi %add3A_105, %iota3A : vector<16xi32>
      %lt3A_107 = vector.broadcast %scan3A_10 : i32 to vector<16xi32>
      %lt3A_108 = arith.cmpi slt, %add3A_106, %lt3A_107 : vector<16xi32>
      %shift_right_arithmetic3A = arith.constant 7 : i32
      %shift_right_arithmetic3A_109 = vector.broadcast %shift_right_arithmetic3A : i32 to vector<16xi32>
      %shift_right_arithmetic3A_110 = arith.shrsi %add3A_106, %shift_right_arithmetic3A_109 : vector<16xi32>
      %and3A_111 = arith.constant 127 : i32
      %and3A_112 = vector.broadcast %and3A_111 : i32 to vector<16xi32>
      %and3A_113 = arith.andi %add3A_106, %and3A_112 : vector<16xi32>
      %gather3A = tpu.vector_load_idx %arg7[%shift_right_arithmetic3A_110, %and3A_113] masked %lt3A_108 : memref<128x128xi32, #tpu.memory_space<vmem>>[vector<16xi32>, vector<16xi32>], vector<16xi32>, vector<16xi1>
      %gather3A_114 = tpu.vector_load_idx %arg8[%shift_right_arithmetic3A_110, %and3A_113] masked %lt3A_108 : memref<128x128xi32, #tpu.memory_space<vmem>>[vector<16xi32>, vector<16xi32>], vector<16xi32>, vector<16xi1>
      %sub3A_115 = vector.broadcast %mul3A_2 : i32 to vector<16xi32>
      %sub3A_116 = arith.subi %gather3A, %sub3A_115 : vector<16xi32>
      %jit3A_117 = arith.constant 0 : i32
      %broadcast_in_dim3A = vector.broadcast %jit3A_117 : i32 to vector<16xi32>
      %select_n3A_118 = arith.select %lt3A_108, %sub3A_116, %broadcast_in_dim3A : vector<16xi1>, vector<16xi32>
      %gather3A_119 = tpu.vector_load_idx %arg9[%select_n3A_118] masked %lt3A_108 : memref<6256xi32, #tpu.memory_space<vmem>>[vector<16xi32>], vector<16xi32>, vector<16xi1>
      %eq3A_120 = arith.cmpi eq, %gather3A_119, %gather3A_114 : vector<16xi32>
      %and3A_121 = arith.andi %lt3A_108, %eq3A_120 : vector<16xi1>
      %convert_element_type3A_122 = arith.extui %and3A_121 : vector<16xi1> to vector<16xi32>
      %reduce_sum3A = arith.constant true
      %reduce_sum3A_123 = vector.broadcast %reduce_sum3A : i1 to vector<16xi1>
      %reduce_sum3A_124 = tpu.scan <sum>, %convert_element_type3A_122 masked %reduce_sum3A_123 : vector<16xi32>, vector<16xi1> -> vector<16xi32>
      %reduce_sum3A_125 = vector.extract %reduce_sum3A_124[15] : i32 from vector<16xi32>
      %cumsum3A = arith.constant true
      %cumsum3A_126 = vector.broadcast %cumsum3A : i1 to vector<16xi1>
      %cumsum3A_127 = tpu.scan <sum>, %convert_element_type3A_122 masked %cumsum3A_126 : vector<16xi32>, vector<16xi1> -> vector<16xi32>
      %add3A_128 = vector.broadcast %while3A_100 : i32 to vector<16xi32>
      %add3A_129 = arith.addi %add3A_128, %cumsum3A_127 : vector<16xi32>
      %sub3A_130 = arith.constant 1 : i32
      %sub3A_131 = vector.broadcast %sub3A_130 : i32 to vector<16xi32>
      %sub3A_132 = arith.subi %add3A_129, %sub3A_131 : vector<16xi32>
      %shift_right_arithmetic3A_133 = arith.constant 7 : i32
      %shift_right_arithmetic3A_134 = vector.broadcast %shift_right_arithmetic3A_133 : i32 to vector<16xi32>
      %shift_right_arithmetic3A_135 = arith.shrsi %sub3A_132, %shift_right_arithmetic3A_134 : vector<16xi32>
      %and3A_136 = arith.constant 127 : i32
      %and3A_137 = vector.broadcast %and3A_136 : i32 to vector<16xi32>
      %and3A_138 = arith.andi %sub3A_132, %and3A_137 : vector<16xi32>
      tpu.vector_store_idx %arg7[%shift_right_arithmetic3A_135, %and3A_138], %gather3A masked %and3A_121 : memref<128x128xi32, #tpu.memory_space<vmem>>[vector<16xi32>, vector<16xi32>], vector<16xi32>, vector<16xi1>
      %shift_right_arithmetic3A_139 = arith.constant 7 : i32
      %shift_right_arithmetic3A_140 = vector.broadcast %shift_right_arithmetic3A_139 : i32 to vector<16xi32>
      %shift_right_arithmetic3A_141 = arith.shrsi %sub3A_132, %shift_right_arithmetic3A_140 : vector<16xi32>
      %and3A_142 = arith.constant 127 : i32
      %and3A_143 = vector.broadcast %and3A_142 : i32 to vector<16xi32>
      %and3A_144 = arith.andi %sub3A_132, %and3A_143 : vector<16xi32>
      tpu.vector_store_idx %arg8[%shift_right_arithmetic3A_141, %and3A_144], %gather3A_114 masked %and3A_121 : memref<128x128xi32, #tpu.memory_space<vmem>>[vector<16xi32>, vector<16xi32>], vector<16xi32>, vector<16xi1>
      %jit3A_145 = arith.constant -1 : i32
      %broadcast_in_dim3A_146 = vector.broadcast %jit3A_145 : i32 to vector<16xi32>
      %select_n3A_147 = arith.select %and3A_121, %iota3A, %broadcast_in_dim3A_146 : vector<16xi1>, vector<16xi32>
      %reduce_max3A = arith.constant true
      %reduce_max3A_148 = vector.broadcast %reduce_max3A : i1 to vector<16xi1>
      %reduce_max3A_149 = arith.constant -2147483648 : i32
      %reduce_max3A_150 = vector.broadcast %reduce_max3A_149 : i32 to vector<16xi32>
      %reduce_max3A_151 = arith.xori %select_n3A_147, %reduce_max3A_150 : vector<16xi32>
      %reduce_max3A_152 = tpu.scan <max>, %reduce_max3A_151 masked %reduce_max3A_148 : vector<16xi32>, vector<16xi1> -> vector<16xi32>
      %reduce_max3A_153 = arith.xori %reduce_max3A_152, %reduce_max3A_150 : vector<16xi32>
      %reduce_max3A_154 = vector.extract %reduce_max3A_153[15] : i32 from vector<16xi32>
      %eq3A_155 = vector.broadcast %reduce_max3A_154 : i32 to vector<16xi32>
      %eq3A_156 = arith.cmpi eq, %iota3A, %eq3A_155 : vector<16xi32>
      %and3A_157 = arith.andi %and3A_121, %eq3A_156 : vector<16xi1>
      %jit3A_158 = arith.constant -1 : i32
      %broadcast_in_dim3A_159 = vector.broadcast %jit3A_158 : i32 to vector<16xi32>
      %select_n3A_160 = arith.select %and3A_157, %gather3A, %broadcast_in_dim3A_159 : vector<16xi1>, vector<16xi32>
      %reduce_max3A_161 = arith.constant true
      %reduce_max3A_162 = vector.broadcast %reduce_max3A_161 : i1 to vector<16xi1>
      %reduce_max3A_163 = arith.constant -2147483648 : i32
      %reduce_max3A_164 = vector.broadcast %reduce_max3A_163 : i32 to vector<16xi32>
      %reduce_max3A_165 = arith.xori %select_n3A_160, %reduce_max3A_164 : vector<16xi32>
      %reduce_max3A_166 = tpu.scan <max>, %reduce_max3A_165 masked %reduce_max3A_162 : vector<16xi32>, vector<16xi1> -> vector<16xi32>
      %reduce_max3A_167 = arith.xori %reduce_max3A_166, %reduce_max3A_164 : vector<16xi32>
      %reduce_max3A_168 = vector.extract %reduce_max3A_167[15] : i32 from vector<16xi32>
      %jit3A_169 = arith.constant -1 : i32
      %broadcast_in_dim3A_170 = vector.broadcast %jit3A_169 : i32 to vector<16xi32>
      %select_n3A_171 = arith.select %and3A_157, %gather3A_114, %broadcast_in_dim3A_170 : vector<16xi1>, vector<16xi32>
      %reduce_max3A_172 = arith.constant true
      %reduce_max3A_173 = vector.broadcast %reduce_max3A_172 : i1 to vector<16xi1>
      %reduce_max3A_174 = arith.constant -2147483648 : i32
      %reduce_max3A_175 = vector.broadcast %reduce_max3A_174 : i32 to vector<16xi32>
      %reduce_max3A_176 = arith.xori %select_n3A_171, %reduce_max3A_175 : vector<16xi32>
      %reduce_max3A_177 = tpu.scan <max>, %reduce_max3A_176 masked %reduce_max3A_173 : vector<16xi32>, vector<16xi1> -> vector<16xi32>
      %reduce_max3A_178 = arith.xori %reduce_max3A_177, %reduce_max3A_175 : vector<16xi32>
      %reduce_max3A_179 = vector.extract %reduce_max3A_178[15] : i32 from vector<16xi32>
      %gt3A_180 = arith.constant 0 : i32
      %gt3A_181 = arith.cmpi sgt, %reduce_sum3A_125, %gt3A_180 : i32
      %select_n3A_182 = arith.select %gt3A_181, %reduce_max3A_168, %while3A_101 : i32
      %gt3A_183 = arith.constant 0 : i32
      %gt3A_184 = arith.cmpi sgt, %reduce_sum3A_125, %gt3A_183 : i32
      %select_n3A_185 = arith.select %gt3A_184, %reduce_max3A_179, %while3A_102 : i32
      %add3A_186 = arith.addi %while3A_100, %reduce_sum3A_125 : i32
      scf.yield %add3A_186, %select_n3A_182, %select_n3A_185 : i32, i32, i32
    }
    %while3A_26 = arith.constant 1 : i32
    %while3A_27:3 = scf.for %while3A_99 = %while3A_23 to %while3A_19 step %while3A_26 iter_args(%while3A_100 = %while3A_25#0, %while3A_101 = %while3A_25#1, %while3A_102 = %while3A_25#2) -> (i32, i32, i32)  : i32 {
      %mul3A_103 = arith.constant 16 : i32
      %mul3A_104 = arith.muli %while3A_99, %mul3A_103 : i32
      %add3A_105 = vector.broadcast %mul3A_104 : i32 to vector<16xi32>
      %add3A_106 = arith.addi %add3A_105, %iota3A : vector<16xi32>
      %lt3A_107 = vector.broadcast %scan3A_10 : i32 to vector<16xi32>
      %lt3A_108 = arith.cmpi slt, %add3A_106, %lt3A_107 : vector<16xi32>
      %shift_right_arithmetic3A = arith.constant 7 : i32
      %shift_right_arithmetic3A_109 = vector.broadcast %shift_right_arithmetic3A : i32 to vector<16xi32>
      %shift_right_arithmetic3A_110 = arith.shrsi %add3A_106, %shift_right_arithmetic3A_109 : vector<16xi32>
      %and3A_111 = arith.constant 127 : i32
      %and3A_112 = vector.broadcast %and3A_111 : i32 to vector<16xi32>
      %and3A_113 = arith.andi %add3A_106, %and3A_112 : vector<16xi32>
      %gather3A = tpu.vector_load_idx %arg7[%shift_right_arithmetic3A_110, %and3A_113] masked %lt3A_108 : memref<128x128xi32, #tpu.memory_space<vmem>>[vector<16xi32>, vector<16xi32>], vector<16xi32>, vector<16xi1>
      %gather3A_114 = tpu.vector_load_idx %arg8[%shift_right_arithmetic3A_110, %and3A_113] masked %lt3A_108 : memref<128x128xi32, #tpu.memory_space<vmem>>[vector<16xi32>, vector<16xi32>], vector<16xi32>, vector<16xi1>
      %sub3A_115 = vector.broadcast %mul3A_2 : i32 to vector<16xi32>
      %sub3A_116 = arith.subi %gather3A, %sub3A_115 : vector<16xi32>
      %jit3A_117 = arith.constant 0 : i32
      %broadcast_in_dim3A = vector.broadcast %jit3A_117 : i32 to vector<16xi32>
      %select_n3A_118 = arith.select %lt3A_108, %sub3A_116, %broadcast_in_dim3A : vector<16xi1>, vector<16xi32>
      %gather3A_119 = tpu.vector_load_idx %arg9[%select_n3A_118] masked %lt3A_108 : memref<6256xi32, #tpu.memory_space<vmem>>[vector<16xi32>], vector<16xi32>, vector<16xi1>
      %eq3A_120 = arith.cmpi eq, %gather3A_119, %gather3A_114 : vector<16xi32>
      %and3A_121 = arith.andi %lt3A_108, %eq3A_120 : vector<16xi1>
      %convert_element_type3A_122 = arith.extui %and3A_121 : vector<16xi1> to vector<16xi32>
      %reduce_sum3A = arith.constant true
      %reduce_sum3A_123 = vector.broadcast %reduce_sum3A : i1 to vector<16xi1>
      %reduce_sum3A_124 = tpu.scan <sum>, %convert_element_type3A_122 masked %reduce_sum3A_123 : vector<16xi32>, vector<16xi1> -> vector<16xi32>
      %reduce_sum3A_125 = vector.extract %reduce_sum3A_124[15] : i32 from vector<16xi32>
      %cumsum3A = arith.constant true
      %cumsum3A_126 = vector.broadcast %cumsum3A : i1 to vector<16xi1>
      %cumsum3A_127 = tpu.scan <sum>, %convert_element_type3A_122 masked %cumsum3A_126 : vector<16xi32>, vector<16xi1> -> vector<16xi32>
      %add3A_128 = vector.broadcast %while3A_100 : i32 to vector<16xi32>
      %add3A_129 = arith.addi %add3A_128, %cumsum3A_127 : vector<16xi32>
      %sub3A_130 = arith.constant 1 : i32
      %sub3A_131 = vector.broadcast %sub3A_130 : i32 to vector<16xi32>
      %sub3A_132 = arith.subi %add3A_129, %sub3A_131 : vector<16xi32>
      %shift_right_arithmetic3A_133 = arith.constant 7 : i32
      %shift_right_arithmetic3A_134 = vector.broadcast %shift_right_arithmetic3A_133 : i32 to vector<16xi32>
      %shift_right_arithmetic3A_135 = arith.shrsi %sub3A_132, %shift_right_arithmetic3A_134 : vector<16xi32>
      %and3A_136 = arith.constant 127 : i32
      %and3A_137 = vector.broadcast %and3A_136 : i32 to vector<16xi32>
      %and3A_138 = arith.andi %sub3A_132, %and3A_137 : vector<16xi32>
      tpu.vector_store_idx %arg7[%shift_right_arithmetic3A_135, %and3A_138], %gather3A masked %and3A_121 : memref<128x128xi32, #tpu.memory_space<vmem>>[vector<16xi32>, vector<16xi32>], vector<16xi32>, vector<16xi1>
      %shift_right_arithmetic3A_139 = arith.constant 7 : i32
      %shift_right_arithmetic3A_140 = vector.broadcast %shift_right_arithmetic3A_139 : i32 to vector<16xi32>
      %shift_right_arithmetic3A_141 = arith.shrsi %sub3A_132, %shift_right_arithmetic3A_140 : vector<16xi32>
      %and3A_142 = arith.constant 127 : i32
      %and3A_143 = vector.broadcast %and3A_142 : i32 to vector<16xi32>
      %and3A_144 = arith.andi %sub3A_132, %and3A_143 : vector<16xi32>
      tpu.vector_store_idx %arg8[%shift_right_arithmetic3A_141, %and3A_144], %gather3A_114 masked %and3A_121 : memref<128x128xi32, #tpu.memory_space<vmem>>[vector<16xi32>, vector<16xi32>], vector<16xi32>, vector<16xi1>
      %jit3A_145 = arith.constant -1 : i32
      %broadcast_in_dim3A_146 = vector.broadcast %jit3A_145 : i32 to vector<16xi32>
      %select_n3A_147 = arith.select %and3A_121, %iota3A, %broadcast_in_dim3A_146 : vector<16xi1>, vector<16xi32>
      %reduce_max3A = arith.constant true
      %reduce_max3A_148 = vector.broadcast %reduce_max3A : i1 to vector<16xi1>
      %reduce_max3A_149 = arith.constant -2147483648 : i32
      %reduce_max3A_150 = vector.broadcast %reduce_max3A_149 : i32 to vector<16xi32>
      %reduce_max3A_151 = arith.xori %select_n3A_147, %reduce_max3A_150 : vector<16xi32>
      %reduce_max3A_152 = tpu.scan <max>, %reduce_max3A_151 masked %reduce_max3A_148 : vector<16xi32>, vector<16xi1> -> vector<16xi32>
      %reduce_max3A_153 = arith.xori %reduce_max3A_152, %reduce_max3A_150 : vector<16xi32>
      %reduce_max3A_154 = vector.extract %reduce_max3A_153[15] : i32 from vector<16xi32>
      %eq3A_155 = vector.broadcast %reduce_max3A_154 : i32 to vector<16xi32>
      %eq3A_156 = arith.cmpi eq, %iota3A, %eq3A_155 : vector<16xi32>
      %and3A_157 = arith.andi %and3A_121, %eq3A_156 : vector<16xi1>
      %jit3A_158 = arith.constant -1 : i32
      %broadcast_in_dim3A_159 = vector.broadcast %jit3A_158 : i32 to vector<16xi32>
      %select_n3A_160 = arith.select %and3A_157, %gather3A, %broadcast_in_dim3A_159 : vector<16xi1>, vector<16xi32>
      %reduce_max3A_161 = arith.constant true
      %reduce_max3A_162 = vector.broadcast %reduce_max3A_161 : i1 to vector<16xi1>
      %reduce_max3A_163 = arith.constant -2147483648 : i32
      %reduce_max3A_164 = vector.broadcast %reduce_max3A_163 : i32 to vector<16xi32>
      %reduce_max3A_165 = arith.xori %select_n3A_160, %reduce_max3A_164 : vector<16xi32>
      %reduce_max3A_166 = tpu.scan <max>, %reduce_max3A_165 masked %reduce_max3A_162 : vector<16xi32>, vector<16xi1> -> vector<16xi32>
      %reduce_max3A_167 = arith.xori %reduce_max3A_166, %reduce_max3A_164 : vector<16xi32>
      %reduce_max3A_168 = vector.extract %reduce_max3A_167[15] : i32 from vector<16xi32>
      %jit3A_169 = arith.constant -1 : i32
      %broadcast_in_dim3A_170 = vector.broadcast %jit3A_169 : i32 to vector<16xi32>
      %select_n3A_171 = arith.select %and3A_157, %gather3A_114, %broadcast_in_dim3A_170 : vector<16xi1>, vector<16xi32>
      %reduce_max3A_172 = arith.constant true
      %reduce_max3A_173 = vector.broadcast %reduce_max3A_172 : i1 to vector<16xi1>
      %reduce_max3A_174 = arith.constant -2147483648 : i32
      %reduce_max3A_175 = vector.broadcast %reduce_max3A_174 : i32 to vector<16xi32>
      %reduce_max3A_176 = arith.xori %select_n3A_171, %reduce_max3A_175 : vector<16xi32>
      %reduce_max3A_177 = tpu.scan <max>, %reduce_max3A_176 masked %reduce_max3A_173 : vector<16xi32>, vector<16xi1> -> vector<16xi32>
      %reduce_max3A_178 = arith.xori %reduce_max3A_177, %reduce_max3A_175 : vector<16xi32>
      %reduce_max3A_179 = vector.extract %reduce_max3A_178[15] : i32 from vector<16xi32>
      %gt3A_180 = arith.constant 0 : i32
      %gt3A_181 = arith.cmpi sgt, %reduce_sum3A_125, %gt3A_180 : i32
      %select_n3A_182 = arith.select %gt3A_181, %reduce_max3A_168, %while3A_101 : i32
      %gt3A_183 = arith.constant 0 : i32
      %gt3A_184 = arith.cmpi sgt, %reduce_sum3A_125, %gt3A_183 : i32
      %select_n3A_185 = arith.select %gt3A_184, %reduce_max3A_179, %while3A_102 : i32
      %add3A_186 = arith.addi %while3A_100, %reduce_sum3A_125 : i32
      scf.yield %add3A_186, %select_n3A_182, %select_n3A_185 : i32, i32, i32
    }
    %add3A_28 = arith.constant 127 : i32
    %add3A_29 = arith.addi %while3A_27#0, %add3A_28 : i32
    %div3A_30 = arith.constant 128 : i32
    %div3A_31 = arith.divsi %add3A_29, %div3A_30 : i32
    %mul3A_32 = arith.constant 128 : i32
    %mul3A_33 = arith.muli %div3A_31, %mul3A_32 : i32
    %sub3A = arith.subi %mul3A_33, %while3A_27#0 : i32
    %add3A_34 = arith.constant 15 : i32
    %add3A_35 = arith.addi %sub3A, %add3A_34 : i32
    %div3A_36 = arith.constant 16 : i32
    %div3A_37 = arith.divsi %add3A_35, %div3A_36 : i32
    %while3A_38 = arith.constant 0 : i32
    %while3A_39 = arith.constant 0 : i32
    %while3A_40 = arith.subi %div3A_37, %while3A_38 : i32
    %while3A_41 = arith.addi %while3A_38, %while3A_40 : i32
    %while3A_42 = arith.constant 1 : i32
    %while3A_43 = arith.divsi %while3A_40, %while3A_42 : i32
    %while3A_44 = arith.muli %while3A_43, %while3A_42 : i32
    %while3A_45 = arith.addi %while3A_38, %while3A_44 : i32
    %while3A_46 = arith.constant 1 : i32
    %while3A_47 = scf.for %while3A_99 = %while3A_38 to %while3A_45 step %while3A_46 iter_args(%while3A_100 = %while3A_39) -> (i32)  : i32 {
      %mul3A_101 = arith.constant 16 : i32
      %mul3A_102 = arith.muli %while3A_99, %mul3A_101 : i32
      %add3A_103 = arith.addi %while3A_27#0, %mul3A_102 : i32
      %add3A_104 = vector.broadcast %add3A_103 : i32 to vector<16xi32>
      %add3A_105 = arith.addi %add3A_104, %iota3A : vector<16xi32>
      %lt3A_106 = vector.broadcast %mul3A_33 : i32 to vector<16xi32>
      %lt3A_107 = arith.cmpi slt, %add3A_105, %lt3A_106 : vector<16xi32>
      %shift_right_arithmetic3A = arith.constant 7 : i32
      %shift_right_arithmetic3A_108 = vector.broadcast %shift_right_arithmetic3A : i32 to vector<16xi32>
      %shift_right_arithmetic3A_109 = arith.shrsi %add3A_105, %shift_right_arithmetic3A_108 : vector<16xi32>
      %and3A_110 = arith.constant 127 : i32
      %and3A_111 = vector.broadcast %and3A_110 : i32 to vector<16xi32>
      %and3A_112 = arith.andi %add3A_105, %and3A_111 : vector<16xi32>
      %broadcast_in_dim3A = vector.broadcast %while3A_27#1 : i32 to vector<16xi32>
      tpu.vector_store_idx %arg7[%shift_right_arithmetic3A_109, %and3A_112], %broadcast_in_dim3A masked %lt3A_107 : memref<128x128xi32, #tpu.memory_space<vmem>>[vector<16xi32>, vector<16xi32>], vector<16xi32>, vector<16xi1>
      %shift_right_arithmetic3A_113 = arith.constant 7 : i32
      %shift_right_arithmetic3A_114 = vector.broadcast %shift_right_arithmetic3A_113 : i32 to vector<16xi32>
      %shift_right_arithmetic3A_115 = arith.shrsi %add3A_105, %shift_right_arithmetic3A_114 : vector<16xi32>
      %and3A_116 = arith.constant 127 : i32
      %and3A_117 = vector.broadcast %and3A_116 : i32 to vector<16xi32>
      %and3A_118 = arith.andi %add3A_105, %and3A_117 : vector<16xi32>
      %broadcast_in_dim3A_119 = vector.broadcast %while3A_27#2 : i32 to vector<16xi32>
      tpu.vector_store_idx %arg8[%shift_right_arithmetic3A_115, %and3A_118], %broadcast_in_dim3A_119 masked %lt3A_107 : memref<128x128xi32, #tpu.memory_space<vmem>>[vector<16xi32>, vector<16xi32>], vector<16xi32>, vector<16xi1>
      %while3A_120 = arith.constant 0 : i32
      scf.yield %while3A_120 : i32
    }
    %while3A_48 = arith.constant 1 : i32
    %while3A_49 = scf.for %while3A_99 = %while3A_45 to %while3A_41 step %while3A_48 iter_args(%while3A_100 = %while3A_47) -> (i32)  : i32 {
      %mul3A_101 = arith.constant 16 : i32
      %mul3A_102 = arith.muli %while3A_99, %mul3A_101 : i32
      %add3A_103 = arith.addi %while3A_27#0, %mul3A_102 : i32
      %add3A_104 = vector.broadcast %add3A_103 : i32 to vector<16xi32>
      %add3A_105 = arith.addi %add3A_104, %iota3A : vector<16xi32>
      %lt3A_106 = vector.broadcast %mul3A_33 : i32 to vector<16xi32>
      %lt3A_107 = arith.cmpi slt, %add3A_105, %lt3A_106 : vector<16xi32>
      %shift_right_arithmetic3A = arith.constant 7 : i32
      %shift_right_arithmetic3A_108 = vector.broadcast %shift_right_arithmetic3A : i32 to vector<16xi32>
      %shift_right_arithmetic3A_109 = arith.shrsi %add3A_105, %shift_right_arithmetic3A_108 : vector<16xi32>
      %and3A_110 = arith.constant 127 : i32
      %and3A_111 = vector.broadcast %and3A_110 : i32 to vector<16xi32>
      %and3A_112 = arith.andi %add3A_105, %and3A_111 : vector<16xi32>
      %broadcast_in_dim3A = vector.broadcast %while3A_27#1 : i32 to vector<16xi32>
      tpu.vector_store_idx %arg7[%shift_right_arithmetic3A_109, %and3A_112], %broadcast_in_dim3A masked %lt3A_107 : memref<128x128xi32, #tpu.memory_space<vmem>>[vector<16xi32>, vector<16xi32>], vector<16xi32>, vector<16xi1>
      %shift_right_arithmetic3A_113 = arith.constant 7 : i32
      %shift_right_arithmetic3A_114 = vector.broadcast %shift_right_arithmetic3A_113 : i32 to vector<16xi32>
      %shift_right_arithmetic3A_115 = arith.shrsi %add3A_105, %shift_right_arithmetic3A_114 : vector<16xi32>
      %and3A_116 = arith.constant 127 : i32
      %and3A_117 = vector.broadcast %and3A_116 : i32 to vector<16xi32>
      %and3A_118 = arith.andi %add3A_105, %and3A_117 : vector<16xi32>
      %broadcast_in_dim3A_119 = vector.broadcast %while3A_27#2 : i32 to vector<16xi32>
      tpu.vector_store_idx %arg8[%shift_right_arithmetic3A_115, %and3A_118], %broadcast_in_dim3A_119 masked %lt3A_107 : memref<128x128xi32, #tpu.memory_space<vmem>>[vector<16xi32>, vector<16xi32>], vector<16xi32>, vector<16xi1>
      %while3A_120 = arith.constant 0 : i32
      scf.yield %while3A_120 : i32
    }
    %add3A_50 = arith.constant 5824 : i32
    %add3A_51 = arith.addi %mul3A_2, %add3A_50 : i32
    %dma_wait3A = arith.constant 0 : i32
    %dma_wait3A_52 = tpu.memref_slice %arg5[%add3A_51, %dma_wait3A] : memref<200000x128xf32, #tpu.memory_space<hbm>> -> memref<224x128xf32, #tpu.memory_space<hbm>>
    %dma_wait3A_53 = arith.constant 0 : i32
    %dma_wait3A_54 = tpu.memref_slice %arg5[%add3A_51, %dma_wait3A_53] : memref<200000x128xf32, #tpu.memory_space<hbm>> -> memref<224x128xf32, #tpu.memory_space<hbm>>
    tpu.wait_dma2 semaphore(%arg16 : memref<!tpu.dma_semaphore, #tpu.memory_space<semaphore_mem>>) src(%arg12 : memref<224x128xf32, #tpu.memory_space<vmem>>) dst(%dma_wait3A_54 : memref<224x128xf32, #tpu.memory_space<hbm>>)
    %lt3A = arith.constant 31 : i32
    %lt3A_55 = arith.cmpi slt, %add3A, %lt3A : i32
    %convert_element_type3A = arith.extui %lt3A_55 : i1 to i32
    %cond3A = arith.constant 0 : i32
    %cond3A_56 = arith.cmpi ne, %convert_element_type3A, %cond3A : i32
    scf.if %cond3A_56 {
      %add3A_99 = arith.constant 6048 : i32
      %add3A_100 = arith.addi %mul3A_2, %add3A_99 : i32
      "tpu.region"() ({
        %run_scoped3A = tpu.sem_alloc : memref<!tpu.dma_semaphore, #tpu.memory_space<semaphore_mem>>
        %dma_start3A = arith.constant 0 : i32
        %dma_start3A_101 = arith.constant 0 : i32
        %dma_start3A_102 = tpu.memref_slice %arg12[%dma_start3A, %dma_start3A_101] : memref<224x128xf32, #tpu.memory_space<vmem>> -> memref<208x128xf32, #tpu.memory_space<vmem>>
        %dma_start3A_103 = arith.constant 0 : i32
        %dma_start3A_104 = tpu.memref_slice %arg2[%add3A_100, %dma_start3A_103] : memref<200000x128xf32, #tpu.memory_space<hbm>> -> memref<208x128xf32, #tpu.memory_space<hbm>>
        %dma_start3A_105 = arith.constant 0 : i32
        %dma_start3A_106 = arith.constant 0 : i32
        %dma_start3A_107 = tpu.memref_slice %arg12[%dma_start3A_105, %dma_start3A_106] : memref<224x128xf32, #tpu.memory_space<vmem>> -> memref<208x128xf32, #tpu.memory_space<vmem>>
        %dma_start3A_108 = arith.constant 0 : i32
        %dma_start3A_109 = tpu.memref_slice %arg2[%add3A_100, %dma_start3A_108] : memref<200000x128xf32, #tpu.memory_space<hbm>> -> memref<208x128xf32, #tpu.memory_space<hbm>>
        tpu.enqueue_dma source(%dma_start3A_109 : memref<208x128xf32, #tpu.memory_space<hbm>>) target(%dma_start3A_107 : memref<208x128xf32, #tpu.memory_space<vmem>>) target_semaphore(%run_scoped3A : memref<!tpu.dma_semaphore, #tpu.memory_space<semaphore_mem>>)
        %dma_wait3A_110 = arith.constant 0 : i32
        %dma_wait3A_111 = arith.constant 0 : i32
        %dma_wait3A_112 = tpu.memref_slice %arg12[%dma_wait3A_110, %dma_wait3A_111] : memref<224x128xf32, #tpu.memory_space<vmem>> -> memref<208x128xf32, #tpu.memory_space<vmem>>
        %dma_wait3A_113 = arith.constant 0 : i32
        %dma_wait3A_114 = tpu.memref_slice %arg2[%add3A_100, %dma_wait3A_113] : memref<200000x128xf32, #tpu.memory_space<hbm>> -> memref<208x128xf32, #tpu.memory_space<hbm>>
        %dma_wait3A_115 = arith.constant 0 : i32
        %dma_wait3A_116 = arith.constant 0 : i32
        %dma_wait3A_117 = tpu.memref_slice %arg12[%dma_wait3A_115, %dma_wait3A_116] : memref<224x128xf32, #tpu.memory_space<vmem>> -> memref<208x128xf32, #tpu.memory_space<vmem>>
        %dma_wait3A_118 = arith.constant 0 : i32
        %dma_wait3A_119 = tpu.memref_slice %arg2[%add3A_100, %dma_wait3A_118] : memref<200000x128xf32, #tpu.memory_space<hbm>> -> memref<208x128xf32, #tpu.memory_space<hbm>>
        tpu.wait_dma2 semaphore(%run_scoped3A : memref<!tpu.dma_semaphore, #tpu.memory_space<semaphore_mem>>) src(%dma_wait3A_119 : memref<208x128xf32, #tpu.memory_space<hbm>>) dst(%dma_wait3A_117 : memref<208x128xf32, #tpu.memory_space<vmem>>)
        tpu.yield
      }) : () -> ()
      "tpu.region"() ({
        %run_scoped3A = tpu.sem_alloc : memref<!tpu.dma_semaphore, #tpu.memory_space<semaphore_mem>>
        %dma_start3A = arith.constant 0 : i32
        %dma_start3A_101 = arith.constant 0 : i32
        %dma_start3A_102 = tpu.memref_slice %arg12[%dma_start3A, %dma_start3A_101] : memref<224x128xf32, #tpu.memory_space<vmem>> -> memref<208x128xf32, #tpu.memory_space<vmem>>
        %dma_start3A_103 = arith.constant 0 : i32
        %dma_start3A_104 = tpu.memref_slice %arg5[%add3A_100, %dma_start3A_103] : memref<200000x128xf32, #tpu.memory_space<hbm>> -> memref<208x128xf32, #tpu.memory_space<hbm>>
        %dma_start3A_105 = arith.constant 0 : i32
        %dma_start3A_106 = tpu.memref_slice %arg5[%add3A_100, %dma_start3A_105] : memref<200000x128xf32, #tpu.memory_space<hbm>> -> memref<208x128xf32, #tpu.memory_space<hbm>>
        %dma_start3A_107 = arith.constant 0 : i32
        %dma_start3A_108 = arith.constant 0 : i32
        %dma_start3A_109 = tpu.memref_slice %arg12[%dma_start3A_107, %dma_start3A_108] : memref<224x128xf32, #tpu.memory_space<vmem>> -> memref<208x128xf32, #tpu.memory_space<vmem>>
        tpu.enqueue_dma source(%dma_start3A_109 : memref<208x128xf32, #tpu.memory_space<vmem>>) target(%dma_start3A_106 : memref<208x128xf32, #tpu.memory_space<hbm>>) target_semaphore(%run_scoped3A : memref<!tpu.dma_semaphore, #tpu.memory_space<semaphore_mem>>)
        %dma_wait3A_110 = arith.constant 0 : i32
        %dma_wait3A_111 = arith.constant 0 : i32
        %dma_wait3A_112 = tpu.memref_slice %arg12[%dma_wait3A_110, %dma_wait3A_111] : memref<224x128xf32, #tpu.memory_space<vmem>> -> memref<208x128xf32, #tpu.memory_space<vmem>>
        %dma_wait3A_113 = arith.constant 0 : i32
        %dma_wait3A_114 = tpu.memref_slice %arg5[%add3A_100, %dma_wait3A_113] : memref<200000x128xf32, #tpu.memory_space<hbm>> -> memref<208x128xf32, #tpu.memory_space<hbm>>
        %dma_wait3A_115 = arith.constant 0 : i32
        %dma_wait3A_116 = tpu.memref_slice %arg5[%add3A_100, %dma_wait3A_115] : memref<200000x128xf32, #tpu.memory_space<hbm>> -> memref<208x128xf32, #tpu.memory_space<hbm>>
        %dma_wait3A_117 = arith.constant 0 : i32
        %dma_wait3A_118 = arith.constant 0 : i32
        %dma_wait3A_119 = tpu.memref_slice %arg12[%dma_wait3A_117, %dma_wait3A_118] : memref<224x128xf32, #tpu.memory_space<vmem>> -> memref<208x128xf32, #tpu.memory_space<vmem>>
        tpu.wait_dma2 semaphore(%run_scoped3A : memref<!tpu.dma_semaphore, #tpu.memory_space<semaphore_mem>>) src(%dma_wait3A_119 : memref<208x128xf32, #tpu.memory_space<vmem>>) dst(%dma_wait3A_116 : memref<208x128xf32, #tpu.memory_space<hbm>>)
        tpu.yield
      }) : () -> ()
    } else {
    }
    %eq3A = arith.constant 31 : i32
    %eq3A_57 = arith.cmpi eq, %add3A, %eq3A : i32
    %convert_element_type3A_58 = arith.extui %eq3A_57 : i1 to i32
    %cond3A_59 = arith.constant 0 : i32
    %cond3A_60 = arith.cmpi ne, %convert_element_type3A_58, %cond3A_59 : i32
    scf.if %cond3A_60 {
      %add3A_99 = arith.constant 6048 : i32
      %add3A_100 = arith.addi %mul3A_2, %add3A_99 : i32
      "tpu.region"() ({
        %run_scoped3A = tpu.sem_alloc : memref<!tpu.dma_semaphore, #tpu.memory_space<semaphore_mem>>
        %dma_start3A = arith.constant 0 : i32
        %dma_start3A_101 = arith.constant 0 : i32
        %dma_start3A_102 = tpu.memref_slice %arg12[%dma_start3A, %dma_start3A_101] : memref<224x128xf32, #tpu.memory_space<vmem>> -> memref<16x128xf32, #tpu.memory_space<vmem>>
        %dma_start3A_103 = arith.constant 0 : i32
        %dma_start3A_104 = tpu.memref_slice %arg2[%add3A_100, %dma_start3A_103] : memref<200000x128xf32, #tpu.memory_space<hbm>> -> memref<16x128xf32, #tpu.memory_space<hbm>>
        %dma_start3A_105 = arith.constant 0 : i32
        %dma_start3A_106 = arith.constant 0 : i32
        %dma_start3A_107 = tpu.memref_slice %arg12[%dma_start3A_105, %dma_start3A_106] : memref<224x128xf32, #tpu.memory_space<vmem>> -> memref<16x128xf32, #tpu.memory_space<vmem>>
        %dma_start3A_108 = arith.constant 0 : i32
        %dma_start3A_109 = tpu.memref_slice %arg2[%add3A_100, %dma_start3A_108] : memref<200000x128xf32, #tpu.memory_space<hbm>> -> memref<16x128xf32, #tpu.memory_space<hbm>>
        tpu.enqueue_dma source(%dma_start3A_109 : memref<16x128xf32, #tpu.memory_space<hbm>>) target(%dma_start3A_107 : memref<16x128xf32, #tpu.memory_space<vmem>>) target_semaphore(%run_scoped3A : memref<!tpu.dma_semaphore, #tpu.memory_space<semaphore_mem>>)
        %dma_wait3A_110 = arith.constant 0 : i32
        %dma_wait3A_111 = arith.constant 0 : i32
        %dma_wait3A_112 = tpu.memref_slice %arg12[%dma_wait3A_110, %dma_wait3A_111] : memref<224x128xf32, #tpu.memory_space<vmem>> -> memref<16x128xf32, #tpu.memory_space<vmem>>
        %dma_wait3A_113 = arith.constant 0 : i32
        %dma_wait3A_114 = tpu.memref_slice %arg2[%add3A_100, %dma_wait3A_113] : memref<200000x128xf32, #tpu.memory_space<hbm>> -> memref<16x128xf32, #tpu.memory_space<hbm>>
        %dma_wait3A_115 = arith.constant 0 : i32
        %dma_wait3A_116 = arith.constant 0 : i32
        %dma_wait3A_117 = tpu.memref_slice %arg12[%dma_wait3A_115, %dma_wait3A_116] : memref<224x128xf32, #tpu.memory_space<vmem>> -> memref<16x128xf32, #tpu.memory_space<vmem>>
        %dma_wait3A_118 = arith.constant 0 : i32
        %dma_wait3A_119 = tpu.memref_slice %arg2[%add3A_100, %dma_wait3A_118] : memref<200000x128xf32, #tpu.memory_space<hbm>> -> memref<16x128xf32, #tpu.memory_space<hbm>>
        tpu.wait_dma2 semaphore(%run_scoped3A : memref<!tpu.dma_semaphore, #tpu.memory_space<semaphore_mem>>) src(%dma_wait3A_119 : memref<16x128xf32, #tpu.memory_space<hbm>>) dst(%dma_wait3A_117 : memref<16x128xf32, #tpu.memory_space<vmem>>)
        tpu.yield
      }) : () -> ()
      "tpu.region"() ({
        %run_scoped3A = tpu.sem_alloc : memref<!tpu.dma_semaphore, #tpu.memory_space<semaphore_mem>>
        %dma_start3A = arith.constant 0 : i32
        %dma_start3A_101 = arith.constant 0 : i32
        %dma_start3A_102 = tpu.memref_slice %arg12[%dma_start3A, %dma_start3A_101] : memref<224x128xf32, #tpu.memory_space<vmem>> -> memref<16x128xf32, #tpu.memory_space<vmem>>
        %dma_start3A_103 = arith.constant 0 : i32
        %dma_start3A_104 = tpu.memref_slice %arg5[%add3A_100, %dma_start3A_103] : memref<200000x128xf32, #tpu.memory_space<hbm>> -> memref<16x128xf32, #tpu.memory_space<hbm>>
        %dma_start3A_105 = arith.constant 0 : i32
        %dma_start3A_106 = tpu.memref_slice %arg5[%add3A_100, %dma_start3A_105] : memref<200000x128xf32, #tpu.memory_space<hbm>> -> memref<16x128xf32, #tpu.memory_space<hbm>>
        %dma_start3A_107 = arith.constant 0 : i32
        %dma_start3A_108 = arith.constant 0 : i32
        %dma_start3A_109 = tpu.memref_slice %arg12[%dma_start3A_107, %dma_start3A_108] : memref<224x128xf32, #tpu.memory_space<vmem>> -> memref<16x128xf32, #tpu.memory_space<vmem>>
        tpu.enqueue_dma source(%dma_start3A_109 : memref<16x128xf32, #tpu.memory_space<vmem>>) target(%dma_start3A_106 : memref<16x128xf32, #tpu.memory_space<hbm>>) target_semaphore(%run_scoped3A : memref<!tpu.dma_semaphore, #tpu.memory_space<semaphore_mem>>)
        %dma_wait3A_110 = arith.constant 0 : i32
        %dma_wait3A_111 = arith.constant 0 : i32
        %dma_wait3A_112 = tpu.memref_slice %arg12[%dma_wait3A_110, %dma_wait3A_111] : memref<224x128xf32, #tpu.memory_space<vmem>> -> memref<16x128xf32, #tpu.memory_space<vmem>>
        %dma_wait3A_113 = arith.constant 0 : i32
        %dma_wait3A_114 = tpu.memref_slice %arg5[%add3A_100, %dma_wait3A_113] : memref<200000x128xf32, #tpu.memory_space<hbm>> -> memref<16x128xf32, #tpu.memory_space<hbm>>
        %dma_wait3A_115 = arith.constant 0 : i32
        %dma_wait3A_116 = tpu.memref_slice %arg5[%add3A_100, %dma_wait3A_115] : memref<200000x128xf32, #tpu.memory_space<hbm>> -> memref<16x128xf32, #tpu.memory_space<hbm>>
        %dma_wait3A_117 = arith.constant 0 : i32
        %dma_wait3A_118 = arith.constant 0 : i32
        %dma_wait3A_119 = tpu.memref_slice %arg12[%dma_wait3A_117, %dma_wait3A_118] : memref<224x128xf32, #tpu.memory_space<vmem>> -> memref<16x128xf32, #tpu.memory_space<vmem>>
        tpu.wait_dma2 semaphore(%run_scoped3A : memref<!tpu.dma_semaphore, #tpu.memory_space<semaphore_mem>>) src(%dma_wait3A_119 : memref<16x128xf32, #tpu.memory_space<vmem>>) dst(%dma_wait3A_116 : memref<16x128xf32, #tpu.memory_space<hbm>>)
        tpu.yield
      }) : () -> ()
    } else {
    }
    %jit3A = arith.constant 128 : i32
    %div3A_61 = arith.divsi %mul3A_33, %jit3A : i32
    %sign3A = arith.constant 0 : i32
    %sign3A_62 = arith.cmpi sgt, %mul3A_33, %sign3A : i32
    %sign3A_63 = arith.extui %sign3A_62 : i1 to i32
    %sign3A_64 = arith.constant 0 : i32
    %sign3A_65 = arith.cmpi slt, %mul3A_33, %sign3A_64 : i32
    %sign3A_66 = arith.extui %sign3A_65 : i1 to i32
    %sign3A_67 = arith.subi %sign3A_63, %sign3A_66 : i32
    %sign3A_68 = arith.constant 0 : i32
    %sign3A_69 = arith.cmpi sgt, %jit3A, %sign3A_68 : i32
    %sign3A_70 = arith.extui %sign3A_69 : i1 to i32
    %sign3A_71 = arith.constant 0 : i32
    %sign3A_72 = arith.cmpi slt, %jit3A, %sign3A_71 : i32
    %sign3A_73 = arith.extui %sign3A_72 : i1 to i32
    %sign3A_74 = arith.subi %sign3A_70, %sign3A_73 : i32
    %ne3A = arith.cmpi ne, %sign3A_67, %sign3A_74 : i32
    %rem3A = arith.remsi %mul3A_33, %jit3A : i32
    %ne3A_75 = arith.constant 0 : i32
    %ne3A_76 = arith.cmpi ne, %rem3A, %ne3A_75 : i32
    %and3A = arith.andi %ne3A, %ne3A_76 : i1
    %sub3A_77 = arith.constant 1 : i32
    %sub3A_78 = arith.subi %div3A_61, %sub3A_77 : i32
    %select_n3A = arith.select %and3A, %sub3A_78, %div3A_61 : i32
    %gt3A = arith.constant 0 : i32
    %gt3A_79 = arith.cmpi sgt, %select_n3A, %gt3A : i32
    %convert_element_type3A_80 = arith.extui %gt3A_79 : i1 to i32
    %cond3A_81 = arith.constant 0 : i32
    %cond3A_82 = arith.cmpi ne, %convert_element_type3A_80, %cond3A_81 : i32
    scf.if %cond3A_82 {
      %dma_start3A = arith.constant 0 : i32
      %dma_start3A_99 = arith.constant 0 : i32
      %dma_start3A_100 = arith.constant 0 : i32
      %dma_start3A_101 = tpu.memref_slice %arg12[%dma_start3A_99, %dma_start3A_100] : memref<224x128xf32, #tpu.memory_space<vmem>> -> memref<128x128xf32, #tpu.memory_space<vmem>>
      %dma_start3A_102 = arith.constant 0 : i32
      %dma_start3A_103 = tpu.memref_slice %arg8[%dma_start3A, %dma_start3A_102] : memref<128x128xi32, #tpu.memory_space<vmem>> -> memref<1x128xi32, #tpu.memory_space<vmem>>
      %dma_start3A_104 = tpu.memref_squeeze %dma_start3A_103 : memref<1x128xi32, #tpu.memory_space<vmem>> -> memref<128xi32, #tpu.memory_space<vmem>>
      %dma_start3A_105 = arith.constant 0 : i32
      %dma_start3A_106 = arith.constant 0 : i32
      %dma_start3A_107 = tpu.memref_slice %arg4[%dma_start3A_105, %dma_start3A_106] : memref<16384x128xf32, #tpu.memory_space<hbm>> -> memref<16384x128xf32, #tpu.memory_space<hbm>>
      tpu.enqueue_indirect_dma source(%dma_start3A_107 : memref<16384x128xf32, #tpu.memory_space<hbm>>) target(%dma_start3A_101 : memref<128x128xf32, #tpu.memory_space<vmem>>) offsets(%dma_start3A_104 : memref<128xi32, #tpu.memory_space<vmem>>) semaphore(%arg14 : memref<!tpu.dma_semaphore, #tpu.memory_space<semaphore_mem>>)
    } else {
    }
    %add3A_83 = arith.constant 1 : i32
    %add3A_84 = arith.addi %select_n3A, %add3A_83 : i32
    %div3A_85 = arith.constant 2 : i32
    %div3A_86 = arith.divsi %add3A_84, %div3A_85 : i32
    %while3A_87 = arith.constant 0 : i32
    %while3A_88 = arith.constant 0 : i32
    %while3A_89 = arith.subi %div3A_86, %while3A_87 : i32
    %while3A_90 = arith.addi %while3A_87, %while3A_89 : i32
    %while3A_91 = arith.constant 1 : i32
    %while3A_92 = arith.divsi %while3A_89, %while3A_91 : i32
    %while3A_93 = arith.muli %while3A_92, %while3A_91 : i32
    %while3A_94 = arith.addi %while3A_87, %while3A_93 : i32
    %while3A_95 = arith.constant 1 : i32
    %while3A_96 = scf.for %while3A_99 = %while3A_87 to %while3A_94 step %while3A_95 iter_args(%while3A_100 = %while3A_88) -> (i32)  : i32 {
      %mul3A_101 = arith.constant 2 : i32
      %mul3A_102 = arith.muli %while3A_99, %mul3A_101 : i32
      %dma_wait3A_103 = arith.constant 0 : i32
      %dma_wait3A_104 = arith.constant 0 : i32
      %dma_wait3A_105 = tpu.memref_slice %arg12[%dma_wait3A_103, %dma_wait3A_104] : memref<224x128xf32, #tpu.memory_space<vmem>> -> memref<128x128xf32, #tpu.memory_space<vmem>>
      %dma_wait3A_106 = arith.constant 0 : i32
      %dma_wait3A_107 = tpu.memref_slice %arg8[%mul3A_102, %dma_wait3A_106] : memref<128x128xi32, #tpu.memory_space<vmem>> -> memref<1x128xi32, #tpu.memory_space<vmem>>
      %dma_wait3A_108 = tpu.memref_squeeze %dma_wait3A_107 : memref<1x128xi32, #tpu.memory_space<vmem>> -> memref<128xi32, #tpu.memory_space<vmem>>
      %dma_wait3A_109 = arith.constant 0 : i32
      %dma_wait3A_110 = arith.constant 0 : i32
      %dma_wait3A_111 = tpu.memref_slice %arg4[%dma_wait3A_109, %dma_wait3A_110] : memref<16384x128xf32, #tpu.memory_space<hbm>> -> memref<16384x128xf32, #tpu.memory_space<hbm>>
      tpu.wait_indirect_dma semaphore(%arg14 : memref<!tpu.dma_semaphore, #tpu.memory_space<semaphore_mem>>) src(%dma_wait3A_111 : memref<16384x128xf32, #tpu.memory_space<hbm>>) dst(%dma_wait3A_105 : memref<128x128xf32, #tpu.memory_space<vmem>>)
      %dma_start3A = arith.constant 0 : i32
      %dma_start3A_112 = arith.constant 0 : i32
      %dma_start3A_113 = tpu.memref_slice %arg12[%dma_start3A, %dma_start3A_112] : memref<224x128xf32, #tpu.memory_space<vmem>> -> memref<128x128xf32, #tpu.memory_space<vmem>>
      %dma_start3A_114 = arith.constant 0 : i32
      %dma_start3A_115 = tpu.memref_slice %arg7[%mul3A_102, %dma_start3A_114] : memref<128x128xi32, #tpu.memory_space<vmem>> -> memref<1x128xi32, #tpu.memory_space<vmem>>
      %dma_start3A_116 = tpu.memref_squeeze %dma_start3A_115 : memref<1x128xi32, #tpu.memory_space<vmem>> -> memref<128xi32, #tpu.memory_space<vmem>>
      %dma_start3A_117 = arith.constant 0 : i32
      %dma_start3A_118 = arith.constant 0 : i32
      %dma_start3A_119 = tpu.memref_slice %arg5[%dma_start3A_117, %dma_start3A_118] : memref<200000x128xf32, #tpu.memory_space<hbm>> -> memref<200000x128xf32, #tpu.memory_space<hbm>>
      tpu.enqueue_indirect_dma source(%dma_start3A_113 : memref<128x128xf32, #tpu.memory_space<vmem>>) target(%dma_start3A_119 : memref<200000x128xf32, #tpu.memory_space<hbm>>) offsets(%dma_start3A_116 : memref<128xi32, #tpu.memory_space<vmem>>) semaphore(%arg16 : memref<!tpu.dma_semaphore, #tpu.memory_space<semaphore_mem>>)
      %add3A_120 = arith.constant 1 : i32
      %add3A_121 = arith.addi %mul3A_102, %add3A_120 : i32
      %lt3A_122 = arith.cmpi slt, %add3A_121, %select_n3A : i32
      %convert_element_type3A_123 = arith.extui %lt3A_122 : i1 to i32
      %cond3A_124 = arith.constant 0 : i32
      %cond3A_125 = arith.cmpi ne, %convert_element_type3A_123, %cond3A_124 : i32
      scf.if %cond3A_125 {
        %add3A_142 = arith.constant 1 : i32
        %add3A_143 = arith.addi %mul3A_102, %add3A_142 : i32
        %dma_start3A_144 = arith.constant 0 : i32
        %dma_start3A_145 = arith.constant 0 : i32
        %dma_start3A_146 = tpu.memref_slice %arg13[%dma_start3A_144, %dma_start3A_145] : memref<224x128xf32, #tpu.memory_space<vmem>> -> memref<128x128xf32, #tpu.memory_space<vmem>>
        %dma_start3A_147 = arith.constant 0 : i32
        %dma_start3A_148 = tpu.memref_slice %arg8[%add3A_143, %dma_start3A_147] : memref<128x128xi32, #tpu.memory_space<vmem>> -> memref<1x128xi32, #tpu.memory_space<vmem>>
        %dma_start3A_149 = tpu.memref_squeeze %dma_start3A_148 : memref<1x128xi32, #tpu.memory_space<vmem>> -> memref<128xi32, #tpu.memory_space<vmem>>
        %dma_start3A_150 = arith.constant 0 : i32
        %dma_start3A_151 = arith.constant 0 : i32
        %dma_start3A_152 = tpu.memref_slice %arg4[%dma_start3A_150, %dma_start3A_151] : memref<16384x128xf32, #tpu.memory_space<hbm>> -> memref<16384x128xf32, #tpu.memory_space<hbm>>
        tpu.enqueue_indirect_dma source(%dma_start3A_152 : memref<16384x128xf32, #tpu.memory_space<hbm>>) target(%dma_start3A_146 : memref<128x128xf32, #tpu.memory_space<vmem>>) offsets(%dma_start3A_149 : memref<128xi32, #tpu.memory_space<vmem>>) semaphore(%arg15 : memref<!tpu.dma_semaphore, #tpu.memory_space<semaphore_mem>>)
      } else {
      }
      %dma_wait3A_126 = arith.constant 0 : i32
      %dma_wait3A_127 = arith.constant 0 : i32
      %dma_wait3A_128 = tpu.memref_slice %arg12[%dma_wait3A_126, %dma_wait3A_127] : memref<224x128xf32, #tpu.memory_space<vmem>> -> memref<128x128xf32, #tpu.memory_space<vmem>>
      %dma_wait3A_129 = arith.constant 0 : i32
      %dma_wait3A_130 = tpu.memref_slice %arg7[%mul3A_102, %dma_wait3A_129] : memref<128x128xi32, #tpu.memory_space<vmem>> -> memref<1x128xi32, #tpu.memory_space<vmem>>
      %dma_wait3A_131 = tpu.memref_squeeze %dma_wait3A_130 : memref<1x128xi32, #tpu.memory_space<vmem>> -> memref<128xi32, #tpu.memory_space<vmem>>
      %dma_wait3A_132 = arith.constant 0 : i32
      %dma_wait3A_133 = arith.constant 0 : i32
      %dma_wait3A_134 = tpu.memref_slice %arg5[%dma_wait3A_132, %dma_wait3A_133] : memref<200000x128xf32, #tpu.memory_space<hbm>> -> memref<200000x128xf32, #tpu.memory_space<hbm>>
      tpu.wait_indirect_dma semaphore(%arg16 : memref<!tpu.dma_semaphore, #tpu.memory_space<semaphore_mem>>) src(%dma_wait3A_128 : memref<128x128xf32, #tpu.memory_space<vmem>>) dst(%dma_wait3A_134 : memref<200000x128xf32, #tpu.memory_space<hbm>>)
      %add3A_135 = arith.constant 1 : i32
      %add3A_136 = arith.addi %mul3A_102, %add3A_135 : i32
      %lt3A_137 = arith.cmpi slt, %add3A_136, %select_n3A : i32
      %convert_element_type3A_138 = arith.extui %lt3A_137 : i1 to i32
      %cond3A_139 = arith.constant 0 : i32
      %cond3A_140 = arith.cmpi ne, %convert_element_type3A_138, %cond3A_139 : i32
      scf.if %cond3A_140 {
        %add3A_142 = arith.constant 1 : i32
        %add3A_143 = arith.addi %mul3A_102, %add3A_142 : i32
        %dma_wait3A_144 = arith.constant 0 : i32
        %dma_wait3A_145 = arith.constant 0 : i32
        %dma_wait3A_146 = tpu.memref_slice %arg13[%dma_wait3A_144, %dma_wait3A_145] : memref<224x128xf32, #tpu.memory_space<vmem>> -> memref<128x128xf32, #tpu.memory_space<vmem>>
        %dma_wait3A_147 = arith.constant 0 : i32
        %dma_wait3A_148 = tpu.memref_slice %arg8[%add3A_143, %dma_wait3A_147] : memref<128x128xi32, #tpu.memory_space<vmem>> -> memref<1x128xi32, #tpu.memory_space<vmem>>
        %dma_wait3A_149 = tpu.memref_squeeze %dma_wait3A_148 : memref<1x128xi32, #tpu.memory_space<vmem>> -> memref<128xi32, #tpu.memory_space<vmem>>
        %dma_wait3A_150 = arith.constant 0 : i32
        %dma_wait3A_151 = arith.constant 0 : i32
        %dma_wait3A_152 = tpu.memref_slice %arg4[%dma_wait3A_150, %dma_wait3A_151] : memref<16384x128xf32, #tpu.memory_space<hbm>> -> memref<16384x128xf32, #tpu.memory_space<hbm>>
        tpu.wait_indirect_dma semaphore(%arg15 : memref<!tpu.dma_semaphore, #tpu.memory_space<semaphore_mem>>) src(%dma_wait3A_152 : memref<16384x128xf32, #tpu.memory_space<hbm>>) dst(%dma_wait3A_146 : memref<128x128xf32, #tpu.memory_space<vmem>>)
        %add3A_153 = arith.constant 1 : i32
        %add3A_154 = arith.addi %mul3A_102, %add3A_153 : i32
        %dma_start3A_155 = arith.constant 0 : i32
        %dma_start3A_156 = arith.constant 0 : i32
        %dma_start3A_157 = tpu.memref_slice %arg13[%dma_start3A_155, %dma_start3A_156] : memref<224x128xf32, #tpu.memory_space<vmem>> -> memref<128x128xf32, #tpu.memory_space<vmem>>
        %dma_start3A_158 = arith.constant 0 : i32
        %dma_start3A_159 = tpu.memref_slice %arg7[%add3A_154, %dma_start3A_158] : memref<128x128xi32, #tpu.memory_space<vmem>> -> memref<1x128xi32, #tpu.memory_space<vmem>>
        %dma_start3A_160 = tpu.memref_squeeze %dma_start3A_159 : memref<1x128xi32, #tpu.memory_space<vmem>> -> memref<128xi32, #tpu.memory_space<vmem>>
        %dma_start3A_161 = arith.constant 0 : i32
        %dma_start3A_162 = arith.constant 0 : i32
        %dma_start3A_163 = tpu.memref_slice %arg5[%dma_start3A_161, %dma_start3A_162] : memref<200000x128xf32, #tpu.memory_space<hbm>> -> memref<200000x128xf32, #tpu.memory_space<hbm>>
        tpu.enqueue_indirect_dma source(%dma_start3A_157 : memref<128x128xf32, #tpu.memory_space<vmem>>) target(%dma_start3A_163 : memref<200000x128xf32, #tpu.memory_space<hbm>>) offsets(%dma_start3A_160 : memref<128xi32, #tpu.memory_space<vmem>>) semaphore(%arg17 : memref<!tpu.dma_semaphore, #tpu.memory_space<semaphore_mem>>)
        %add3A_164 = arith.constant 2 : i32
        %add3A_165 = arith.addi %mul3A_102, %add3A_164 : i32
        %lt3A_166 = arith.cmpi slt, %add3A_165, %select_n3A : i32
        %convert_element_type3A_167 = arith.extui %lt3A_166 : i1 to i32
        %cond3A_168 = arith.constant 0 : i32
        %cond3A_169 = arith.cmpi ne, %convert_element_type3A_167, %cond3A_168 : i32
        scf.if %cond3A_169 {
          %add3A_179 = arith.constant 2 : i32
          %add3A_180 = arith.addi %mul3A_102, %add3A_179 : i32
          %dma_start3A_181 = arith.constant 0 : i32
          %dma_start3A_182 = arith.constant 0 : i32
          %dma_start3A_183 = tpu.memref_slice %arg12[%dma_start3A_181, %dma_start3A_182] : memref<224x128xf32, #tpu.memory_space<vmem>> -> memref<128x128xf32, #tpu.memory_space<vmem>>
          %dma_start3A_184 = arith.constant 0 : i32
          %dma_start3A_185 = tpu.memref_slice %arg8[%add3A_180, %dma_start3A_184] : memref<128x128xi32, #tpu.memory_space<vmem>> -> memref<1x128xi32, #tpu.memory_space<vmem>>
          %dma_start3A_186 = tpu.memref_squeeze %dma_start3A_185 : memref<1x128xi32, #tpu.memory_space<vmem>> -> memref<128xi32, #tpu.memory_space<vmem>>
          %dma_start3A_187 = arith.constant 0 : i32
          %dma_start3A_188 = arith.constant 0 : i32
          %dma_start3A_189 = tpu.memref_slice %arg4[%dma_start3A_187, %dma_start3A_188] : memref<16384x128xf32, #tpu.memory_space<hbm>> -> memref<16384x128xf32, #tpu.memory_space<hbm>>
          tpu.enqueue_indirect_dma source(%dma_start3A_189 : memref<16384x128xf32, #tpu.memory_space<hbm>>) target(%dma_start3A_183 : memref<128x128xf32, #tpu.memory_space<vmem>>) offsets(%dma_start3A_186 : memref<128xi32, #tpu.memory_space<vmem>>) semaphore(%arg14 : memref<!tpu.dma_semaphore, #tpu.memory_space<semaphore_mem>>)
        } else {
        }
        %dma_wait3A_170 = arith.constant 0 : i32
        %dma_wait3A_171 = arith.constant 0 : i32
        %dma_wait3A_172 = tpu.memref_slice %arg13[%dma_wait3A_170, %dma_wait3A_171] : memref<224x128xf32, #tpu.memory_space<vmem>> -> memref<128x128xf32, #tpu.memory_space<vmem>>
        %dma_wait3A_173 = arith.constant 0 : i32
        %dma_wait3A_174 = tpu.memref_slice %arg7[%add3A_154, %dma_wait3A_173] : memref<128x128xi32, #tpu.memory_space<vmem>> -> memref<1x128xi32, #tpu.memory_space<vmem>>
        %dma_wait3A_175 = tpu.memref_squeeze %dma_wait3A_174 : memref<1x128xi32, #tpu.memory_space<vmem>> -> memref<128xi32, #tpu.memory_space<vmem>>
        %dma_wait3A_176 = arith.constant 0 : i32
        %dma_wait3A_177 = arith.constant 0 : i32
        %dma_wait3A_178 = tpu.memref_slice %arg5[%dma_wait3A_176, %dma_wait3A_177] : memref<200000x128xf32, #tpu.memory_space<hbm>> -> memref<200000x128xf32, #tpu.memory_space<hbm>>
        tpu.wait_indirect_dma semaphore(%arg17 : memref<!tpu.dma_semaphore, #tpu.memory_space<semaphore_mem>>) src(%dma_wait3A_172 : memref<128x128xf32, #tpu.memory_space<vmem>>) dst(%dma_wait3A_178 : memref<200000x128xf32, #tpu.memory_space<hbm>>)
      } else {
      }
      %while3A_141 = arith.constant 0 : i32
      scf.yield %while3A_141 : i32
    }
    %while3A_97 = arith.constant 1 : i32
    %while3A_98 = scf.for %while3A_99 = %while3A_94 to %while3A_90 step %while3A_97 iter_args(%while3A_100 = %while3A_96) -> (i32)  : i32 {
      %mul3A_101 = arith.constant 2 : i32
      %mul3A_102 = arith.muli %while3A_99, %mul3A_101 : i32
      %dma_wait3A_103 = arith.constant 0 : i32
      %dma_wait3A_104 = arith.constant 0 : i32
      %dma_wait3A_105 = tpu.memref_slice %arg12[%dma_wait3A_103, %dma_wait3A_104] : memref<224x128xf32, #tpu.memory_space<vmem>> -> memref<128x128xf32, #tpu.memory_space<vmem>>
      %dma_wait3A_106 = arith.constant 0 : i32
      %dma_wait3A_107 = tpu.memref_slice %arg8[%mul3A_102, %dma_wait3A_106] : memref<128x128xi32, #tpu.memory_space<vmem>> -> memref<1x128xi32, #tpu.memory_space<vmem>>
      %dma_wait3A_108 = tpu.memref_squeeze %dma_wait3A_107 : memref<1x128xi32, #tpu.memory_space<vmem>> -> memref<128xi32, #tpu.memory_space<vmem>>
      %dma_wait3A_109 = arith.constant 0 : i32
      %dma_wait3A_110 = arith.constant 0 : i32
      %dma_wait3A_111 = tpu.memref_slice %arg4[%dma_wait3A_109, %dma_wait3A_110] : memref<16384x128xf32, #tpu.memory_space<hbm>> -> memref<16384x128xf32, #tpu.memory_space<hbm>>
      tpu.wait_indirect_dma semaphore(%arg14 : memref<!tpu.dma_semaphore, #tpu.memory_space<semaphore_mem>>) src(%dma_wait3A_111 : memref<16384x128xf32, #tpu.memory_space<hbm>>) dst(%dma_wait3A_105 : memref<128x128xf32, #tpu.memory_space<vmem>>)
      %dma_start3A = arith.constant 0 : i32
      %dma_start3A_112 = arith.constant 0 : i32
      %dma_start3A_113 = tpu.memref_slice %arg12[%dma_start3A, %dma_start3A_112] : memref<224x128xf32, #tpu.memory_space<vmem>> -> memref<128x128xf32, #tpu.memory_space<vmem>>
      %dma_start3A_114 = arith.constant 0 : i32
      %dma_start3A_115 = tpu.memref_slice %arg7[%mul3A_102, %dma_start3A_114] : memref<128x128xi32, #tpu.memory_space<vmem>> -> memref<1x128xi32, #tpu.memory_space<vmem>>
      %dma_start3A_116 = tpu.memref_squeeze %dma_start3A_115 : memref<1x128xi32, #tpu.memory_space<vmem>> -> memref<128xi32, #tpu.memory_space<vmem>>
      %dma_start3A_117 = arith.constant 0 : i32
      %dma_start3A_118 = arith.constant 0 : i32
      %dma_start3A_119 = tpu.memref_slice %arg5[%dma_start3A_117, %dma_start3A_118] : memref<200000x128xf32, #tpu.memory_space<hbm>> -> memref<200000x128xf32, #tpu.memory_space<hbm>>
      tpu.enqueue_indirect_dma source(%dma_start3A_113 : memref<128x128xf32, #tpu.memory_space<vmem>>) target(%dma_start3A_119 : memref<200000x128xf32, #tpu.memory_space<hbm>>) offsets(%dma_start3A_116 : memref<128xi32, #tpu.memory_space<vmem>>) semaphore(%arg16 : memref<!tpu.dma_semaphore, #tpu.memory_space<semaphore_mem>>)
      %add3A_120 = arith.constant 1 : i32
      %add3A_121 = arith.addi %mul3A_102, %add3A_120 : i32
      %lt3A_122 = arith.cmpi slt, %add3A_121, %select_n3A : i32
      %convert_element_type3A_123 = arith.extui %lt3A_122 : i1 to i32
      %cond3A_124 = arith.constant 0 : i32
      %cond3A_125 = arith.cmpi ne, %convert_element_type3A_123, %cond3A_124 : i32
      scf.if %cond3A_125 {
        %add3A_142 = arith.constant 1 : i32
        %add3A_143 = arith.addi %mul3A_102, %add3A_142 : i32
        %dma_start3A_144 = arith.constant 0 : i32
        %dma_start3A_145 = arith.constant 0 : i32
        %dma_start3A_146 = tpu.memref_slice %arg13[%dma_start3A_144, %dma_start3A_145] : memref<224x128xf32, #tpu.memory_space<vmem>> -> memref<128x128xf32, #tpu.memory_space<vmem>>
        %dma_start3A_147 = arith.constant 0 : i32
        %dma_start3A_148 = tpu.memref_slice %arg8[%add3A_143, %dma_start3A_147] : memref<128x128xi32, #tpu.memory_space<vmem>> -> memref<1x128xi32, #tpu.memory_space<vmem>>
        %dma_start3A_149 = tpu.memref_squeeze %dma_start3A_148 : memref<1x128xi32, #tpu.memory_space<vmem>> -> memref<128xi32, #tpu.memory_space<vmem>>
        %dma_start3A_150 = arith.constant 0 : i32
        %dma_start3A_151 = arith.constant 0 : i32
        %dma_start3A_152 = tpu.memref_slice %arg4[%dma_start3A_150, %dma_start3A_151] : memref<16384x128xf32, #tpu.memory_space<hbm>> -> memref<16384x128xf32, #tpu.memory_space<hbm>>
        tpu.enqueue_indirect_dma source(%dma_start3A_152 : memref<16384x128xf32, #tpu.memory_space<hbm>>) target(%dma_start3A_146 : memref<128x128xf32, #tpu.memory_space<vmem>>) offsets(%dma_start3A_149 : memref<128xi32, #tpu.memory_space<vmem>>) semaphore(%arg15 : memref<!tpu.dma_semaphore, #tpu.memory_space<semaphore_mem>>)
      } else {
      }
      %dma_wait3A_126 = arith.constant 0 : i32
      %dma_wait3A_127 = arith.constant 0 : i32
      %dma_wait3A_128 = tpu.memref_slice %arg12[%dma_wait3A_126, %dma_wait3A_127] : memref<224x128xf32, #tpu.memory_space<vmem>> -> memref<128x128xf32, #tpu.memory_space<vmem>>
      %dma_wait3A_129 = arith.constant 0 : i32
      %dma_wait3A_130 = tpu.memref_slice %arg7[%mul3A_102, %dma_wait3A_129] : memref<128x128xi32, #tpu.memory_space<vmem>> -> memref<1x128xi32, #tpu.memory_space<vmem>>
      %dma_wait3A_131 = tpu.memref_squeeze %dma_wait3A_130 : memref<1x128xi32, #tpu.memory_space<vmem>> -> memref<128xi32, #tpu.memory_space<vmem>>
      %dma_wait3A_132 = arith.constant 0 : i32
      %dma_wait3A_133 = arith.constant 0 : i32
      %dma_wait3A_134 = tpu.memref_slice %arg5[%dma_wait3A_132, %dma_wait3A_133] : memref<200000x128xf32, #tpu.memory_space<hbm>> -> memref<200000x128xf32, #tpu.memory_space<hbm>>
      tpu.wait_indirect_dma semaphore(%arg16 : memref<!tpu.dma_semaphore, #tpu.memory_space<semaphore_mem>>) src(%dma_wait3A_128 : memref<128x128xf32, #tpu.memory_space<vmem>>) dst(%dma_wait3A_134 : memref<200000x128xf32, #tpu.memory_space<hbm>>)
      %add3A_135 = arith.constant 1 : i32
      %add3A_136 = arith.addi %mul3A_102, %add3A_135 : i32
      %lt3A_137 = arith.cmpi slt, %add3A_136, %select_n3A : i32
      %convert_element_type3A_138 = arith.extui %lt3A_137 : i1 to i32
      %cond3A_139 = arith.constant 0 : i32
      %cond3A_140 = arith.cmpi ne, %convert_element_type3A_138, %cond3A_139 : i32
      scf.if %cond3A_140 {
        %add3A_142 = arith.constant 1 : i32
        %add3A_143 = arith.addi %mul3A_102, %add3A_142 : i32
        %dma_wait3A_144 = arith.constant 0 : i32
        %dma_wait3A_145 = arith.constant 0 : i32
        %dma_wait3A_146 = tpu.memref_slice %arg13[%dma_wait3A_144, %dma_wait3A_145] : memref<224x128xf32, #tpu.memory_space<vmem>> -> memref<128x128xf32, #tpu.memory_space<vmem>>
        %dma_wait3A_147 = arith.constant 0 : i32
        %dma_wait3A_148 = tpu.memref_slice %arg8[%add3A_143, %dma_wait3A_147] : memref<128x128xi32, #tpu.memory_space<vmem>> -> memref<1x128xi32, #tpu.memory_space<vmem>>
        %dma_wait3A_149 = tpu.memref_squeeze %dma_wait3A_148 : memref<1x128xi32, #tpu.memory_space<vmem>> -> memref<128xi32, #tpu.memory_space<vmem>>
        %dma_wait3A_150 = arith.constant 0 : i32
        %dma_wait3A_151 = arith.constant 0 : i32
        %dma_wait3A_152 = tpu.memref_slice %arg4[%dma_wait3A_150, %dma_wait3A_151] : memref<16384x128xf32, #tpu.memory_space<hbm>> -> memref<16384x128xf32, #tpu.memory_space<hbm>>
        tpu.wait_indirect_dma semaphore(%arg15 : memref<!tpu.dma_semaphore, #tpu.memory_space<semaphore_mem>>) src(%dma_wait3A_152 : memref<16384x128xf32, #tpu.memory_space<hbm>>) dst(%dma_wait3A_146 : memref<128x128xf32, #tpu.memory_space<vmem>>)
        %add3A_153 = arith.constant 1 : i32
        %add3A_154 = arith.addi %mul3A_102, %add3A_153 : i32
        %dma_start3A_155 = arith.constant 0 : i32
        %dma_start3A_156 = arith.constant 0 : i32
        %dma_start3A_157 = tpu.memref_slice %arg13[%dma_start3A_155, %dma_start3A_156] : memref<224x128xf32, #tpu.memory_space<vmem>> -> memref<128x128xf32, #tpu.memory_space<vmem>>
        %dma_start3A_158 = arith.constant 0 : i32
        %dma_start3A_159 = tpu.memref_slice %arg7[%add3A_154, %dma_start3A_158] : memref<128x128xi32, #tpu.memory_space<vmem>> -> memref<1x128xi32, #tpu.memory_space<vmem>>
        %dma_start3A_160 = tpu.memref_squeeze %dma_start3A_159 : memref<1x128xi32, #tpu.memory_space<vmem>> -> memref<128xi32, #tpu.memory_space<vmem>>
        %dma_start3A_161 = arith.constant 0 : i32
        %dma_start3A_162 = arith.constant 0 : i32
        %dma_start3A_163 = tpu.memref_slice %arg5[%dma_start3A_161, %dma_start3A_162] : memref<200000x128xf32, #tpu.memory_space<hbm>> -> memref<200000x128xf32, #tpu.memory_space<hbm>>
        tpu.enqueue_indirect_dma source(%dma_start3A_157 : memref<128x128xf32, #tpu.memory_space<vmem>>) target(%dma_start3A_163 : memref<200000x128xf32, #tpu.memory_space<hbm>>) offsets(%dma_start3A_160 : memref<128xi32, #tpu.memory_space<vmem>>) semaphore(%arg17 : memref<!tpu.dma_semaphore, #tpu.memory_space<semaphore_mem>>)
        %add3A_164 = arith.constant 2 : i32
        %add3A_165 = arith.addi %mul3A_102, %add3A_164 : i32
        %lt3A_166 = arith.cmpi slt, %add3A_165, %select_n3A : i32
        %convert_element_type3A_167 = arith.extui %lt3A_166 : i1 to i32
        %cond3A_168 = arith.constant 0 : i32
        %cond3A_169 = arith.cmpi ne, %convert_element_type3A_167, %cond3A_168 : i32
        scf.if %cond3A_169 {
          %add3A_179 = arith.constant 2 : i32
          %add3A_180 = arith.addi %mul3A_102, %add3A_179 : i32
          %dma_start3A_181 = arith.constant 0 : i32
          %dma_start3A_182 = arith.constant 0 : i32
          %dma_start3A_183 = tpu.memref_slice %arg12[%dma_start3A_181, %dma_start3A_182] : memref<224x128xf32, #tpu.memory_space<vmem>> -> memref<128x128xf32, #tpu.memory_space<vmem>>
          %dma_start3A_184 = arith.constant 0 : i32
          %dma_start3A_185 = tpu.memref_slice %arg8[%add3A_180, %dma_start3A_184] : memref<128x128xi32, #tpu.memory_space<vmem>> -> memref<1x128xi32, #tpu.memory_space<vmem>>
          %dma_start3A_186 = tpu.memref_squeeze %dma_start3A_185 : memref<1x128xi32, #tpu.memory_space<vmem>> -> memref<128xi32, #tpu.memory_space<vmem>>
          %dma_start3A_187 = arith.constant 0 : i32
          %dma_start3A_188 = arith.constant 0 : i32
          %dma_start3A_189 = tpu.memref_slice %arg4[%dma_start3A_187, %dma_start3A_188] : memref<16384x128xf32, #tpu.memory_space<hbm>> -> memref<16384x128xf32, #tpu.memory_space<hbm>>
          tpu.enqueue_indirect_dma source(%dma_start3A_189 : memref<16384x128xf32, #tpu.memory_space<hbm>>) target(%dma_start3A_183 : memref<128x128xf32, #tpu.memory_space<vmem>>) offsets(%dma_start3A_186 : memref<128xi32, #tpu.memory_space<vmem>>) semaphore(%arg14 : memref<!tpu.dma_semaphore, #tpu.memory_space<semaphore_mem>>)
        } else {
        }
        %dma_wait3A_170 = arith.constant 0 : i32
        %dma_wait3A_171 = arith.constant 0 : i32
        %dma_wait3A_172 = tpu.memref_slice %arg13[%dma_wait3A_170, %dma_wait3A_171] : memref<224x128xf32, #tpu.memory_space<vmem>> -> memref<128x128xf32, #tpu.memory_space<vmem>>
        %dma_wait3A_173 = arith.constant 0 : i32
        %dma_wait3A_174 = tpu.memref_slice %arg7[%add3A_154, %dma_wait3A_173] : memref<128x128xi32, #tpu.memory_space<vmem>> -> memref<1x128xi32, #tpu.memory_space<vmem>>
        %dma_wait3A_175 = tpu.memref_squeeze %dma_wait3A_174 : memref<1x128xi32, #tpu.memory_space<vmem>> -> memref<128xi32, #tpu.memory_space<vmem>>
        %dma_wait3A_176 = arith.constant 0 : i32
        %dma_wait3A_177 = arith.constant 0 : i32
        %dma_wait3A_178 = tpu.memref_slice %arg5[%dma_wait3A_176, %dma_wait3A_177] : memref<200000x128xf32, #tpu.memory_space<hbm>> -> memref<200000x128xf32, #tpu.memory_space<hbm>>
        tpu.wait_indirect_dma semaphore(%arg17 : memref<!tpu.dma_semaphore, #tpu.memory_space<semaphore_mem>>) src(%dma_wait3A_172 : memref<128x128xf32, #tpu.memory_space<vmem>>) dst(%dma_wait3A_178 : memref<200000x128xf32, #tpu.memory_space<hbm>>)
      } else {
      }
      %while3A_141 = arith.constant 0 : i32
      scf.yield %while3A_141 : i32
    }
    return
  }
}

</mosaic_0001>

<sc_bundles>
// kernel: kernel.3.cloned.1.call-start
scs
__scs_entry_jumppad:
0x0: {  	(pc) =	sbr.rel $0x88, $3  }
0x1: {  	(tag) =	ssettag $0x0;
	lr =	simm.s32 $0x1  }
0x2: {  	[smem:$0x3F9E] =	sst lr;
	_ =	strace $0xD0000000  }
0x3: {  	_ = 	snop  }
0x4: {  	_ = 	snop  }
0x5: {  	_ = 	snop  }
0x6: {  	_ = 	snop  }
0x7: {  	_ = 	snop  }
__scs_overlays_trampoline_lowered:
0x8: {  	[smem:$0x3FAD] =	sst s0  }
0x9: {  	[smem:$0x3FAE] =	sst s1  }
0xa: {  	[smem:$0x3FAF] =	sst s2  }
0xb: {  	[smem:$0x3FB0] =	sst s3  }
0xc: {  	[smem:$0x3FB1] =	sst s4  }
0xd: {  	[smem:$0x3FB2] =	sst s5  }
0xe: {  	[smem:$0x3FB3] =	sst s6  }
0xf: {  	[smem:$0x3FB4] =	sst s7  }
0x10: {  	[smem:$0x3FB5] =	sst s8  }
0x11: {  	[smem:$0x3FB6] =	sst s9;
	s0 =	simm.s32 @!p0 $0x0  }
0x12: {  	s1 =	sld [smem:$0x3F9C];
	s0 =	simm.s32 @p0 $0x1  }
0x13: {  	[smem:$0x3FB7] =	sst s0;
	s0 =	simm.s32 @!p1 $0x0  }
0x14: {  	s2 =	sld [smem:$0x3F9B];
	s0 =	simm.s32 @p1 $0x1  }
0x15: {  	[smem:$0x3FB8] =	sst s0;
	s0 =	simm.s32 @!p2 $0x0  }
0x16: {  	s3 =	sld [smem:$0x3FDB];
	s0 =	simm.s32 @p2 $0x1  }
0x17: {  	s4 =	simm.s32 $0x1BF5;
	[smem:$0x3FBA] =	sst s0  }
0x18: {  	s0 =	sld [smem:$0x3F9D];
	_ =	swait.ge [sflag:s4], $0x0  }
0x19: {  	s7 =	sld [smem:$0x3F9E]  }
0x1a: {  	s8 =	sadd.s32 $0xFFFFE003, lr  }
0x1b: {  	s9 =	sadd.s32 $0xFFFFFEF7, lr;
	s5 =	simm.s32 $0xFFFFFFFF;
	p2 =	slt.u32 s8, $0xFFFFF086  }
0x1c: {  	p1 =	slt.u32 s9, $0xF7A;
	s5 =	simm.s32 @!p2 $0x0  }
0x1d: {  	s5 =	simm.s32 @p1 $0x1;
	p0 =	seq.s32 s7, s2  }
0x1e: {  	s7 =	smul.u32 @!p0 $0xF7A, s2;
	p2 =	seq.s32 @!p0 s5, $0x0  }
0x1f: {  	s9 =	smul.u32 $0xF7A, s1;
	s8 =	simm.s32 @!p0 $0x1BF5;
	p2 =	por !p2, p0  }
0x20: {  	[sflag:s8] =	ssyncset.s32 @!p0 $0xFFFFF086;
	s6 =	sadd.s32 @!p0 s3, s7;
	s7 =	simm.s32 @!p0 $0x108  }
0x21: {  	s3 =	sadd.s32 s3, s9;
	s6 =	sadd.s32 @!p0 $0x88, s6;
	s7 =	simm.s32 @p2 $0x1082  }
0x22: {  	[simem:s7], [sflag:s8] =	dma.local @!p0 [hbm:s6], $0xF7A  }
0x23: {  	s9 =	sor.u32 $0xD0000000, s2;
	s6 =	simm.s32 $0x108;
	_ =	swait.ge @!p0 [sflag:s8], $0x0  }
0x24: {  	s3 =	sadd.s32 $0x88, s3;
	s6 =	simm.s32 @!p1 $0x1082;
	[sflag:s4] =	ssyncset.s32 $0xFFFFF086  }
0x25: {  	[simem:s6], [sflag:s4] =	dma.local [hbm:s3], $0xF7A  }
0x26: {  	[smem:$0x3F9E] =	sst s1;
	(tag) =	ssettag s2;
	_ =	strace s9  }
0x27: {  	s1 =	sld [smem:$0x3FAE]  }
0x28: {  	s2 =	sld [smem:$0x3FAF]  }
0x29: {  	s4 =	sld [smem:$0x3FB1]  }
0x2a: {  	p0 =	seq.s32 s5, $0x0;
	s5 =	sld [smem:$0x3FB2]  }
0x2b: {  	s6 =	sld [smem:$0x3FB3]  }
0x2c: {  	s7 =	sld [smem:$0x3FB4]  }
0x2d: {  	s3 =	simm.s32 $0x108;
	s8 =	sld [smem:$0x3FB5]  }
0x2e: {  	s3 =	simm.s32 @!p0 $0x1082;
	s9 =	sld [smem:$0x3FB6]  }
0x2f: {  	lr =	sadd.s32 s0, s3;
	s0 =	sld [smem:$0x3FAD]  }
0x30: {  	s3 =	sld [smem:$0x3FB0]  }
0x31: {  	[smem:$0x3FB9] =	sst s10  }
0x32: {  	s10 =	sld [smem:$0x3FB7];
	_ =	sdelay $0x3  }
0x33: {  	p0 =	seq.s32 s10, $0x1;
	s10 =	sld [smem:$0x3FB9];
	_ =	sdelay $0x3  }
0x34: {  	[smem:$0x3FB9] =	sst s10  }
0x35: {  	s10 =	sld [smem:$0x3FB8];
	_ =	sdelay $0x3  }
0x36: {  	p1 =	seq.s32 s10, $0x1;
	s10 =	sld [smem:$0x3FB9];
	_ =	sdelay $0x3  }
0x37: {  	[smem:$0x3FB9] =	sst s10  }
0x38: {  	s10 =	sld [smem:$0x3FBA]  }
0x39: {  	_ = 	snop;
	(pc) =	sbr.ind lr, $3  }
0x3a: {  	_ = 	snop  }
0x3b: {  	_ = 	snop  }
0x3c: {  	p2 =	seq.s32 s10, $0x1;
	s10 =	sld [smem:$0x3FB9]  }
0x3d: {  	_ =	shalt  }
0x3e: {  	_ =	shalt  }
0x3f: {  	_ =	shalt  }
0x40: {  	_ =	shalt  }
0x41: {  	_ =	shalt  }
0x42: {  	_ =	shalt  }
0x43: {  	_ =	shalt  }
0x44: {  	_ =	shalt  }
0x45: {  	_ =	shalt  }
0x46: {  	_ =	shalt  }
0x47: {  	_ =	shalt  }
0x48: {  	_ =	shalt  }
0x49: {  	_ =	shalt  }
0x4a: {  	_ =	shalt  }
0x4b: {  	_ =	shalt  }
0x4c: {  	_ =	shalt  }
0x4d: {  	_ =	shalt  }
0x4e: {  	_ =	shalt  }
0x4f: {  	_ =	shalt  }
0x50: {  	_ =	shalt  }
0x51: {  	_ =	shalt  }
0x52: {  	_ =	shalt  }
0x53: {  	_ =	shalt  }
0x54: {  	_ =	shalt  }
0x55: {  	_ =	shalt  }
0x56: {  	_ =	shalt  }
0x57: {  	_ =	shalt  }
0x58: {  	_ =	shalt  }
0x59: {  	_ =	shalt  }
0x5a: {  	_ =	shalt  }
0x5b: {  	_ =	shalt  }
0x5c: {  	_ =	shalt  }
0x5d: {  	_ =	shalt  }
0x5e: {  	_ =	shalt  }
0x5f: {  	_ =	shalt  }
0x60: {  	_ =	shalt  }
0x61: {  	_ =	shalt  }
0x62: {  	_ =	shalt  }
0x63: {  	_ =	shalt  }
0x64: {  	_ =	shalt  }
0x65: {  	_ =	shalt  }
0x66: {  	_ =	shalt  }
0x67: {  	_ =	shalt  }
0x68: {  	_ =	shalt  }
0x69: {  	_ =	shalt  }
0x6a: {  	_ =	shalt  }
0x6b: {  	_ =	shalt  }
0x6c: {  	_ =	shalt  }
0x6d: {  	_ =	shalt  }
0x6e: {  	_ =	shalt  }
0x6f: {  	_ =	shalt  }
0x70: {  	_ =	shalt  }
0x71: {  	_ =	shalt  }
0x72: {  	_ =	shalt  }
0x73: {  	_ =	shalt  }
0x74: {  	_ =	shalt  }
0x75: {  	_ =	shalt  }
0x76: {  	_ =	shalt  }
0x77: {  	_ =	shalt  }
0x78: {  	_ =	shalt  }
0x79: {  	_ =	shalt  }
0x7a: {  	_ =	shalt  }
0x7b: {  	_ =	shalt  }
0x7c: {  	_ =	shalt  }
0x7d: {  	_ =	shalt  }
0x7e: {  	_ =	shalt  }
0x7f: {  	_ =	shalt  }
0x80: {  	_ =	shalt  }
0x81: {  	_ =	shalt  }
0x82: {  	_ =	shalt  }
0x83: {  	_ =	shalt  }
0x84: {  	_ =	shalt  }
0x85: {  	_ =	shalt  }
0x86: {  	_ =	shalt  }
0x87: {  	_ =	shalt  }
.Lfunc_end0:
.L_simem_size_0:
called_computation_lowered:
.L_overlay_start_0:
0x88: {  	s2 =	sld [smem:$0x3FD9]  }
0x89: {  	s3 =	sld [smem:$0x3FFE];
	_ =	sdelay $0x1  }
0x8a: {  	s1 =	srdreg.scid  }
0x8b: {  	s0 =	sand.u32 $0x1, s1  }
0x8c: {  	s18 =	sshll.u32 s0, $0xA;
	s2 =	sadd.s32 s3, s2  }
0x8d: {  	s2 =	sadd.s32 s2, s18  }
0x8e: {  	[smem:$0x3FC5] =	sst s2  }
0x8f: {  	_ = 	snop  }
0x90: {  	s2 =	sld [smem:$0x3FC9]  }
0x91: {  	s19 =	sld [smem:$0x3FC8]  }
0x92: {  	s4 =	sld [smem:$0x3FC7]  }
0x93: {  	s5 =	sld [smem:$0x3FD0];
	(tm) =	ssettm $0x1  }
0x94: {  	s6 =	sld [smem:$0x3FFB];
	_ =	sdelay $0x3  }
0x95: {  	_ =	strace s6  }
0x96: {  	s6 =	sld [smem:$0x3FFC];
	_ =	sdelay $0x3  }
0x97: {  	_ =	strace s6  }
0x98: {  	s6 =	sld [smem:$0x3FFD];
	_ =	sdelay $0x3  }
0x99: {  	_ =	strace s6  }
0x9a: {  	_ =	strace $0x8FFFFFFF  }
0x9b: {  	s20 =	sld [smem:$0x3FDB];
	_ =	sdelay $0x1  }
0x9c: {  	s7 =	simm.s32 $_scs_section_size  }
0x9d: {  	s8 =	simm.s32 $_size__tile_overlayer_lowered;
	s9 =	simm.s32 $_tile_overlayer_lowered  }
0x9e: {  	s23 =	simm.s32 $0x1BFF;
	s22 =	sshll.u32 s9, $0x1;
	s6 =	sadd.s32 s7, s20  }
0x9f: {  	s10 =	simm.s32 $0x0;
	s21 =	sshll.u32 s8, $0x1;
	s8 =	sadd.s32 s22, s6  }
0xa0: {  	[timem:s10], [sflag:s23] =	dma.local [hbm:s8], s21  }
0xa1: {  	_ =	swait.ge [sflag:s23], s21  }
0xa2: {  	s7 =	ssub.s32 $0x0, s21;
	[sflag:s23] =	ssyncset.done $0x0  }
0xa3: {  	[sflag:s23] =	ssyncadd.s32 s7;
	_ =	sdelay $0x1  }
0xa4: {  	s24 =	simm.s32 $0x1B8B  }
0xa5: {  	_ =	swait.ge [sflag:s24], $0x1  }
0xa6: {  	[sflag:s24] =	ssyncset.done $0x0  }
0xa7: {  	s25 =	simm.s32 $0x1B8E;
	[sflag:s24] =	ssyncadd.s32 $0xFFFFFFFF  }
0xa8: {  	s26 =	simm.s32 $execute0_lowered;
	[smem:$0x3FD2] =	sst s25  }
0xa9: {  	s7 =	sshll.u32 s26, $0x1;
	_ =	strace $0x80000046;
	[dreg:$0x1] =	wrdreg $0xFFFFFFFF  }
0xaa: {  	s28 =	simm.s32 $_size_execute0_lowered;
	s6 =	sadd.s32 s6, s7;
	[dreg:$0x0] =	wrdreg $0x0  }
0xab: {  	s7 =	sshll.u32 s28, $0x1;
	[dreg:$0x2] =	wrdreg s6  }
0xac: {  	[dreg:$0x3] =	wrdreg s7  }
0xad: {  	[dreg:$0x4] =	wrdreg $0xC0  }
0xae: {  	_ =	task [dreg:s10], $0x5FFFF  }
0xaf: {  	[dreg:$0x1] =	wrdreg $0xFFFFFFFF  }
0xb0: {  	[dreg:$0x0] =	wrdreg $0x60  }
0xb1: {  	[dreg:$0x2] =	wrdreg s2  }
0xb2: {  	[dreg:$0x3] =	wrdreg s19  }
0xb3: {  	[dreg:$0x4] =	wrdreg s4  }
0xb4: {  	[dreg:$0x5] =	wrdreg s5  }
0xb5: {  	[dreg:$0x6] =	wrdreg $0x9  }
0xb6: {  	_ =	task.clear_ibuf [dreg:s10], $0x7FFFF;
	_ =	strace $0x90000046  }
0xb7: {  	s29 =	simm.s32 $0x9;
	_ =	strace $0x80000048  }
0xb8: {  	_ =	swait.ge [sflag:s29], $0x1  }
0xb9: {  	[sflag:s29] =	ssyncadd.s32 $0xFFFFFFFF  }
0xba: {  	_ =	strace $0x90000048  }
0xbb: {  	_ =	sfence  }
0xbc: {  	s30 =	sld [smem:$0x0];
	_ =	sdelay $0x2  }
0xbd: {  	s31 =	sshll.u32 s1, $0xD;
	s1 =	sshrl.u32 s1, $0x2  }
0xbe: {  	s3 =	sand.u32 $0x4000, s31;
	s1 =	sadd.s32 s1, s30  }
0xbf: {  	s0 =	sor.u32 s3, s0;
	s1 =	sshll.u32 s1, $0x11  }
0xc0: {  	s0 =	sor.u32 s1, s0  }
0xc1: {  	s0 =	sadd.s32 $0x8F2B, s0  }
0xc2: {  	[sflag:s0] =	ssyncadd.remote.s32 $0x1  }
0xc3: {  	_ =	sfence.sel $0xFFFF  }
0xc4: {  	[dreg:$0x0] =	wrdreg $0xFFFFFFFF;
	(pc) =	sbr.abs _section_cstart, $3  }
0xc5: {  	[dreg:$0x1] =	wrdreg $0xFFFFFFFF  }
0xc6: {  	_ =	task.clear_ibuf [dreg:s10], $0x2FFFF;
	_ =	strace $0x9FFFFFFF  }
0xc7: {  	(tm) =	ssettm $0x7FFFFFFF  }
tec
execute0_lowered:
.L_overlay_start_1:
0x0: {  	(tag) =	ssettag $0x1  }
0x1: {  	v0 =	vimm.s32 $0xFEDCBA9  }
0x2: {  	v1 =	vimm.s32 $0x87654321;
	v5 =	vimm.s32 $0x98765432;
	v8 =	vimm.s32 $0x3210FEDC  }
0x3: {  	v9 =	vimm.s32 $0xBA987654;
	vm0 =	vmmov $0x7fff;
	v10 =	vimm.s32 $0x0  }
0x4: {  	v21 =	vimm.s32 $0xEDCBA987;
	vm4 =	vmmov $0x7ff;
	vm5 =	vmmov $0x3ff  }
0x5: {  	vm6 =	vmmov $0x1ff;
	vm7 =	vmmov $0xff;
	vm8 =	vmmov $0x7f  }
0x6: {  	s0 =	srdreg.scid;
	s1 =	stileid.u32;
	vm9 =	vmmov $0x3f;
	vm10 =	vmmov $0x1f;
	vm11 =	vmmov $0xf  }
0x7: {  	vm12 =	vmmov $0x7;
	s5 =	sand.u32 $0x1, s0;
	s25 =	sshll.u32 s1, $0x1;
	v2 =	vunpack.c.l.s4.s8 v0;
	v3 =	vunpack.c.l.s4.s8 v1  }
0x8: {  	vm13 =	vmmov $0x3;
	vm14 =	vmmov $0x1;
	v5 =	vunpack.c.l.s4.s8 v5;
	s19 =	sor.u32 s5, s25  }
0x9: {  	s1 =	smul.u32 $0x1870, s19;
	v11 =	vunpack.c.0.s8.s32 v2;
	v2 =	vimm.s32 $0x10FEDCBA;
	v12 =	vunpack.c.0.s8.s32 v3  }
0xa: {  	v3 =	vimm.s32 $0x0;
	v14 =	vunpack.c.0.s8.s32 v5;
	v4 =	vunpack.c.l.s4.s8 v2  }
0xb: {  	v2 =	vlaneseq.u32;
	s26 =	smin.u32 s1, $0x2F4D0;
	v0 =	vmov s1;
	v6 =	vcombine.low v12, v11  }
0xc: {  	v12 =	vcombine.low v11, v12;
	s0 =	sadd.s32 $0x1870, s26;
	v13 =	vunpack.c.0.s8.s32 v4;
	v4 =	vimm.s32 $0x210FEDCB  }
0xd: {  	v1 =	vmov s0;
	v5 =	vunpack.c.l.s4.s8 v4;
	v4 =	vimm.s32 $0xA9876543  }
0xe: {  	v12 =	vand.u32 $0xF, v12;
	v7 =	vunpack.c.l.s4.s8 v4;
	v4 =	vand.u32 $0xF, v6  }
0xf: {  	v6 =	vunpack.c.l.s4.s8 v8;
	v8 =	vunpack.c.l.s4.s8 v9;
	v9 =	vcombine.low v14, v13  }
0x10: {  	v13 =	vcombine.low v13, v14;
	v15 =	vunpack.c.0.s8.s32 v5;
	v5 =	vimm.s32 $0x0  }
0x11: {  	v16 =	vunpack.c.0.s8.s32 v7;
	v5 =	vsel vm0, $0xFFFFFFFF, v5;
	v17 =	vunpack.c.0.s8.s32 v6  }
0x12: {  	v18 =	vunpack.c.0.s8.s32 v8;
	vm0 =	vmmov $0x3fff;
	v6 =	vimm.s32 $0x0  }
0x13: {  	v8 =	vimm.s32 $0x43210FED;
	v13 =	vand.u32 $0xF, v13;
	[tilespmem:$0x1FFC0] =	vst v5;
	v5 =	vand.u32 $0xF, v9  }
0x14: {  	v6 =	vsel vm0, $0xFFFFFFFF, v6;
	v9 =	vimm.s32 $0xCBA98765;
	v8 =	vunpack.c.l.s4.s8 v8  }
0x15: {  	vm0 =	vmmov $0x1fff;
	[tilespmem:$0x1FFD0] =	vst v6;
	v6 =	vcombine.low v16, v15;
	v7 =	vcombine.low v18, v17  }
0x16: {  	v9 =	vunpack.c.l.s4.s8 v9;
	v10 =	vsel vm0, $0xFFFFFFFF, v10;
	vm0 =	vmmov $0xfff  }
0x17: {  	v14 =	vcombine.low v15, v16;
	v15 =	vcombine.low v17, v18;
	[tilespmem:$0x1FFE0] =	vst v10;
	v10 =	vimm.s32 $0x0  }
0x18: {  	s2 =	rddreg [dreg:$0x0];
	v19 =	vunpack.c.0.s8.s32 v8;
	v8 =	vimm.s32 $0x543210FE;
	v6 =	vand.u32 $0xF, v6  }
0x19: {  	s4 =	rddreg [dreg:$0x2];
	v7 =	vand.u32 $0xF, v7;
	v10 =	vsel vm0, $0xFFFFFFFF, v10;
	v20 =	vunpack.c.0.s8.s32 v9  }
0x1a: {  	s6 =	rddreg [dreg:$0x3];
	s7 =	simm.s32 $0x0;
	v8 =	vunpack.c.l.s4.s8 v8;
	v9 =	vimm.s32 $0xDCBA9876;
	v14 =	vand.u32 $0xF, v14  }
0x1b: {  	s14 =	simm.s32 $0x5;
	s15 =	simm.s32 $0x4000;
	s16 =	simm.s32 $0x8000;
	v15 =	vand.u32 $0xF, v15;
	[tilespmem:$0x1FFF0] =	vst v10;
	v10 =	vimm.s32 $0x6543210F;
	v9 =	vunpack.c.l.s4.s8 v9  }
0x1c: {  	s17 =	simm.s32 $0xC000;
	s18 =	simm.s32 $0xD880;
	s28 =	smul.u32 $0xC3800, s19;
	v10 =	vunpack.c.l.s4.s8 v10;
	v22 =	vcombine.low v20, v19;
	v23 =	vunpack.c.0.s8.s32 v8  }
0x1d: {  	s20 =	simm.s32 $0x80;
	s21 =	simm.s32 $0xD980;
	s22 =	simm.s32 $0x1;
	v8 =	vunpack.c.l.s4.s8 v21;
	v16 =	vcombine.low v19, v20;
	v19 =	vor.u32 $0x80000000, v2  }
0x1e: {  	s23 =	simm.s32 $0x0;
	[smem:$0x7FF] =	sst s7;
	s0 =	sshrl.u32 s28, $0x3;
	v60 =	vunpack.c.0.s8.s32 v9;
	v9 =	vimm.s32 $0xFEDCBA98;
	v24 =	vunpack.c.0.s8.s32 v10  }
0x1f: {  	s30 =	sadd.s32 $0x30D300, s2;
	s31 =	sadd.s32 $0x30D300, s6;
	s0 =	sadd.s32 $0x17A00, s0;
	v25 =	vunpack.c.0.s8.s32 v8;
	v10 =	vimm.s32 $0x76543210;
	v9 =	vunpack.c.l.s4.s8 v9  }
.Ltmp0:
0x20: {  	s3 =	ssub.s32 $0x2, s5;
	s29 =	sadd.s32 s2, s0;
	v8 =	vand.u32 $0xF, v22;
	v16 =	vand.u32 $0xF, v16;
	v10 =	vunpack.c.l.s4.s8 v10;
	(pc) =	sbr.rel .LBB2_1-.Ltmp0, $4  }
0x21: {  	s0 =	sadd.s32 s6, s0;
	_ =	strace $0x80000047;
	[dreg:$0x5] =	wrdreg s29;
	v61 =	vcombine.low v60, v23;
	v17 =	vcombine.low v23, v60;
	v27 =	vunpack.c.0.s8.s32 v9  }
0x22: {  	s5 =	sshrl.u32 s3, $0x1;
	p0 =	seq.s32 s19, $0x1F;
	[dreg:$0x6] =	wrdreg s0;
	v26 =	vcombine.low v25, v24;
	v18 =	vcombine.low v24, v25;
	v62 =	vunpack.c.0.s8.s32 v10  }
0x23: {  	s19 =	simm.s32 $0x3;
	s3 =	ssub.s32 s3, s5;
	[dreg:$0x7] =	wrdreg s30;
	v9 =	vand.u32 $0xF, v61;
	v17 =	vand.u32 $0xF, v17;
	v63 =	vand.u32 $0xF, v27  }
0x24: {  	s8 =	sadd.s32 $0xFFFFFF20, s1;
	s13 =	smax.u32 s3, $0x1;
	[dreg:$0x8] =	wrdreg s31;
	v10 =	vand.u32 $0xF, v26;
	v18 =	vand.u32 $0xF, v18;
	v11 =	vcombine.low v63, v62  }
.LBB2_31:
0x25: {  	[sflag:s26] =	ssyncadd.s32 $0xFFFFC000  }
.LBB2_32:
0x26: {  	s23 =	sadd.s32 $0x1, s23  }
0x27: {  	p1 =	sne.s32 s23, s13  }
.Ltmp1:
0x28: {  	_ = 	snop;
	(pc) =	sbr.rel @!p1 .LBB2_33-.Ltmp1, $1  }
0x29: {  	_ =	sdelay $0x3  }
.LBB2_1:
.Ltmp2:
0x2a: {  	s0 =	rddreg [dreg:$0x1];
	(pc) =	sbr.rel .LBB2_2-.Ltmp2, $4  }
0x2b: {  	[tilespmem:s7], [sflag:$0x5] =	stream.linear.gather [hbm4b:s0+s7], $0x4000, $0x38;
	[tilespmem:$0x1B980] =	vst v63  }
0x2c: {  	_ =	swait.ge [sflag:s14], $0x4000  }
0x2d: {  	s24 =	simm.s32 $0x10;
	[sflag:s14] =	ssyncset.done $0x0  }
0x2e: {  	s26 =	simm.s32 $0x0;
	s25 =	simm.s32 $0x0;
	[sflag:s14] =	ssyncadd.s32 $0xFFFFC000  }
.LBB2_11:
0x2f: {  	v21 =	vsub.s32 v21, v0;
	_ =	sdelay $0x4  }
0x30: {  	[tilespmem:v21+s17+$0x0] =	vst.idx.msk vm0, v20  }
.LBB2_12:
0x31: {  	s25 =	sadd.s32 $0x1, s25  }
0x32: {  	p1 =	sne.s32 s25, $0x200  }
.Ltmp3:
0x33: {  	_ = 	snop;
	(pc) =	sbr.rel @!p1 .LBB2_13-.Ltmp3, $2  }
0x34: {  	_ =	sdelay $0x2  }
0x35: {  	s26 =	sadd.s32 s26, s29;
	s24 =	sadd.s32 $0x20, s24  }
.LBB2_2:
0x36: {  	p1 =	sgt.u32 s25, $0x1DB  }
.Ltmp4:
0x37: {  	_ = 	snop;
	(pc) =	sbr.rel @p1 .LBB2_4-.Ltmp4, $1  }
0x38: {  	_ =	sdelay $0x3  }
0x39: {  	s0 =	smul.u32 $0xF0F1, s25;
	_ =	sdelay $0x1  }
0x3a: {  	s0 =	sshrl.u32 s0, $0x15  }
0x3b: {  	s3 =	smul.u32 $0x22, s0;
	_ =	sdelay $0x1  }
0x3c: {  	s3 =	ssub.s32 s25, s3  }
0x3d: {  	s3 =	sand.u32 $0xFFFF, s3  }
0x3e: {  	p1 =	sne.s32 s3, $0x0  }
0x3f: {  	p2 =	slt.u32 @!p1 s25, $0x22  }
0x40: {  	p2 =	por p2, p1  }
0x41: {  	s5 =	smul.u32 @!p1 $0x1C0, s0;
	s3 =	simm.s32 @!p2 $0x3  }
0x42: {  	_ =	swait.ge @!p2 [sflag:s3], $0x7000  }
0x43: {  	s28 =	sadd.s32 @!p1 s1, s5;
	[sflag:s3] =	ssyncset.done @!p2 $0x0  }
0x44: {  	[sflag:s3] =	ssyncadd.s32 @!p2 $0xFFFF9000;
	s3 =	sshll.u32 @!p1 s28, $0x4  }
0x45: {  	s29 =	simm.s32 @!p1 $0x0;
	s30 =	simm.s32 @!p1 $0xD980;
	s28 =	sadd.s32 @!p1 s2, s3  }
0x46: {  	[tilespmem:s30], [sflag:$0x1] =	stream.linear.gather @!p1 [hbm4b:s28+s29], $0x7000, $0x38;
	[tilespmem:$0x1B980] =	vst v63  }
0x47: {  	s28 =	sadd.s32 @!p1 $0xFFFFFFFF, s0  }
0x48: {  	s0 =	sshll.u32 @!p1 s0, $0x1;
	p2 =	sgt.u32 @!p1 s28, $0xC  }
0x49: {  	s0 =	sor.u32 @!p1 $0x1, s0;
	p2 =	por p2, p1  }
0x4a: {  	p3 =	sgt.u32 @!p1 s0, $0x1A;
	s28 =	simm.s32 @!p2 $0x2;
	s5 =	sadd.s32 @!p2 s5, s8  }
0x4b: {  	s31 =	simm.s32 @!p2 $0x14980;
	p3 =	por p3, p1;
	_ =	swait.ge @!p2 [sflag:s28], $0x7000  }
0x4c: {  	s5 =	sshll.u32 @!p2 s5, $0x4;
	s0 =	smul.u32 @!p3 $0xE0, s0;
	[sflag:s28] =	ssyncset.done @!p2 $0x0  }
0x4d: {  	s5 =	sadd.s32 @!p2 s6, s5;
	[sflag:s28] =	ssyncadd.s32 @!p2 $0xFFFF9000;
	s28 =	simm.s32 @!p2 $0x0  }
0x4e: {  	[hbm4b:s5+s28] =	stream.linear.scatter @!p2 [tilespmem:s31], [sflag:$0x4], $0x7000, $0x38;
	[tilespmem:$0x1B980] =	vst v63  }
0x4f: {  	s5 =	simm.s32 @!p2 $0x4  }
0x50: {  	s0 =	sadd.s32 @!p3 s1, s0;
	_ =	swait.ge @!p2 [sflag:s5], $0x7000  }
0x51: {  	s0 =	sshll.u32 @!p3 s0, $0x4;
	s28 =	simm.s32 @!p3 $0x14980;
	[sflag:s5] =	ssyncset.done @!p2 $0x0  }
0x52: {  	s0 =	sadd.s32 @!p3 s2, s0;
	[sflag:s5] =	ssyncadd.s32 @!p2 $0xFFFF9000;
	s5 =	simm.s32 @!p3 $0x0  }
0x53: {  	[tilespmem:s28], [sflag:$0x2] =	stream.linear.gather @!p3 [hbm4b:s0+s5], $0x7000, $0x38;
	[tilespmem:$0x1B980] =	vst v63  }
0x54: {  	s0 =	simm.s32 @!p1 $0x1  }
0x55: {  	_ =	swait.ge @!p1 [sflag:s0], $0x7000  }
0x56: {  	[sflag:s0] =	ssyncset.done @!p1 $0x0  }
0x57: {  	[sflag:s0] =	ssyncadd.s32 @!p1 $0xFFFF9000;
	s0 =	sadd.s32 @!p1 s6, s3  }
0x58: {  	[hbm4b:s0+s29] =	stream.linear.scatter @!p1 [tilespmem:s30], [sflag:$0x3], $0x7000, $0x38;
	[tilespmem:$0x1B980] =	vst v63  }
.LBB2_4:
0x59: {  	s0 =	sadd.s32 $0xFFFFFFF0, s24  }
0x5a: {  	v20 =	vor.u32 s0, v2;
	_ =	sdelay $0x4  }
0x5b: {  	v21 =	vld.idx.msk [tilespmem:v20+s7+$0x0], $0xffff;
	_ =	sdelay $0x4  }
0x5c: {  	vm0 =	vge.s32 v21, v0;
	vm15 =	vlt.s32 v21, v1  }
0x5d: {  	vm0 =	vmand vm0, vm15  }
0x5e: {  	v22 =	vsel vm0, $0x1, v3  }
0x5f: {  	(xrf0) =	vadd.scan.msk.s32 $0xffff, v22;
	_ =	sdelay $0x5  }
0x60: {  	v23, _, _ =	vpop (xrf0)  }
0x61: {  	(v2sf) =	vpush v23, $0xF;
	_ =	sdelay $0xe  }
0x62: {  	s28 =	spop (v2sf)  }
0x63: {  	p1 =	slt.s32 s28, $0x1  }
.Ltmp5:
0x64: {  	_ = 	snop;
	(pc) =	sbr.rel @p1 .LBB2_8-.Ltmp5, $1  }
0x65: {  	_ =	sdelay $0x3  }
0x66: {  	v24 =	vmov s26  }
0x67: {  	v24 =	vadd.s32 $0xFFFFFFFF, v24  }
0x68: {  	v24 =	vbroadcast v24, $0x0;
	_ =	sdelay $0x1  }
0x69: {  	v23 =	vadd.s32 v23, v24;
	_ =	sdelay $0x1  }
0x6a: {  	p1 =	seq.s32 s28, $0x1  }
.Ltmp6:
0x6b: {  	_ = 	snop;
	(pc) =	sbr.rel @p1 .LBB2_7-.Ltmp6, $4  }
0x6c: {  	_ = 	snop  }
0x6d: {  	[tilespmem:v23+s15+$0x0] =	vst.idx.msk vm0, v21  }
0x6e: {  	[tilespmem:v23+s16+$0x0] =	vst.idx.msk vm0, v20  }
0x6f: {  	[tilespmem:$0xD900] =	vst v22  }
0x70: {  	_ =	sdelay $0x1  }
0x71: {  	v23 =	vnsel vm0, $0xFFFFFFFF, v21;
	v53 =	vld [tilespmem:$0x1FFC0]  }
0x72: {  	v54 =	vld [tilespmem:$0x1FFD0];
	[tilespmem:$0xD880] =	vst v23  }
0x73: {  	v23 =	vld.idx.msk [tilespmem:v4+s18+$0x0], $0xffff  }
0x74: {  	v24 =	vld.idx.msk [tilespmem:v5+s18+$0x0], $0xffff  }
0x75: {  	v56 =	vld [tilespmem:$0x1FFE0]  }
0x76: {  	v25 =	vld.idx.msk [tilespmem:v6+s18+$0x0], $0xffff  }
0x77: {  	v59 =	vld [tilespmem:$0x1FFF0]  }
0x78: {  	v26 =	vld.idx.msk [tilespmem:v7+s18+$0x0], $0xffff;
	vm15 =	veq.s32 v23, v21  }
0x79: {  	v27 =	vld.idx.msk [tilespmem:v8+s18+$0x0], $0xffff;
	vm3 =	vnez.u8 v53;
	vm1 =	veq.s32 v24, v21;
	vm15 =	vmand vm0, vm15  }
0x7a: {  	v23 =	vld.idx.msk [tilespmem:v9+s18+$0x0], $0xffff;
	vm1 =	vmand vm0, vm1;
	vm15 =	vmand vm15, vm3;
	vm3 =	vnez.u8 v54  }
0x7b: {  	vm2 =	veq.s32 v25, v21;
	vm1 =	vmand vm1, vm3  }
0x7c: {  	v55 =	vld.idx.msk [tilespmem:v10+s18+$0x0], $0xffff;
	vm2 =	vmand vm0, vm2;
	vm3 =	vnez.u8 v56;
	vm1 =	vmor vm15, vm1  }
0x7d: {  	v57 =	vld.idx.msk [tilespmem:v11+s18+$0x0], $0xffff;
	vm2 =	vmand vm2, vm3;
	vm15 =	veq.s32 v26, v21;
	vm3 =	vnez.u8 v59  }
0x7e: {  	v58 =	vld.idx.msk [tilespmem:v12+s18+$0x0], $0xffff;
	vm1 =	vmor vm1, vm2;
	vm2 =	vmand vm0, vm15;
	vm15 =	veq.s32 v27, v21  }
0x7f: {  	vm2 =	vmand vm2, vm3;
	vm15 =	vmand vm0, vm15;
	vm3 =	veq.s32 v23, v21  }
0x80: {  	v23 =	vld.idx.msk [tilespmem:v13+s18+$0x0], $0xffff;
	vm1 =	vmor vm1, vm2;
	vm2 =	vmand vm15, vm4;
	vm3 =	vmand vm0, vm3  }
0x81: {  	v60 =	vld.idx.msk [tilespmem:v14+s18+$0x0], $0xffff;
	vm1 =	vmor vm1, vm2;
	vm2 =	vmand vm3, vm5;
	vm3 =	veq.s32 v55, v21  }
0x82: {  	v61 =	vld.idx.msk [tilespmem:v15+s18+$0x0], $0xffff;
	vm1 =	vmor vm1, vm2;
	vm2 =	vmand vm0, vm3;
	vm3 =	veq.s32 v57, v21  }
0x83: {  	vm15 =	veq.s32 v58, v21;
	vm2 =	vmand vm2, vm6;
	vm3 =	vmand vm0, vm3  }
0x84: {  	v62 =	vld.idx.msk [tilespmem:v16+s18+$0x0], $0xffff;
	vm1 =	vmor vm1, vm2;
	vm2 =	vmand vm3, vm7;
	vm3 =	vmand vm0, vm15  }
0x85: {  	vm1 =	vmor vm1, vm2;
	vm2 =	vmand vm3, vm8;
	vm3 =	veq.s32 v23, v21;
	v23 =	vld.idx.msk [tilespmem:v17+s18+$0x0], $0xffff  }
0x86: {  	v63 =	vld.idx.msk [tilespmem:v18+s18+$0x0], $0xffff;
	vm1 =	vmor vm1, vm2;
	vm2 =	vmand vm0, vm3;
	vm3 =	veq.s32 v60, v21  }
0x87: {  	vm15 =	veq.s32 v61, v21;
	vm2 =	vmand vm2, vm9;
	vm3 =	vmand vm0, vm3  }
0x88: {  	vm1 =	vmor vm1, vm2;
	vm2 =	vmand vm3, vm10;
	vm3 =	vmand vm0, vm15  }
0x89: {  	vm15 =	veq.s32 v62, v21;
	vm1 =	vmor vm1, vm2;
	vm2 =	vmand vm3, vm11  }
0x8a: {  	vm3 =	veq.s32 v23, v21;
	vm1 =	vmor vm1, vm2;
	vm2 =	vmand vm0, vm15  }
0x8b: {  	vm15 =	veq.s32 v63, v21;
	vm2 =	vmand vm2, vm12;
	vm3 =	vmand vm0, vm3  }
0x8c: {  	vm1 =	vmor vm1, vm2;
	vm2 =	vmand vm3, vm13;
	vm3 =	vmand vm0, vm15  }
0x8d: {  	vm1 =	vmor vm1, vm2;
	vm2 =	vmand vm3, vm14  }
0x8e: {  	vm1 =	vmor vm1, vm2  }
0x8f: {  	v22 =	vsel vm1, $0x0, v22;
	vm1 =	vmneg vm1  }
0x90: {  	vm0 =	vmand vm1, vm0;
	[tilespmem:$0xD900] =	vst v22  }
.LBB2_7:
0x91: {  	v21 =	vsub.s32 v21, v0;
	_ =	sdelay $0x4  }
0x92: {  	[tilespmem:v21+s17+$0x0] =	vst.idx.msk vm0, v20  }
.LBB2_8:
0x93: {  	v20 =	vor.u32 s24, v2;
	_ =	sdelay $0x4  }
0x94: {  	v21 =	vld.idx.msk [tilespmem:v20+s7+$0x0], $0xffff;
	_ =	sdelay $0x4  }
0x95: {  	vm0 =	vge.s32 v21, v0;
	vm1 =	vlt.s32 v21, v1  }
0x96: {  	vm0 =	vmand vm0, vm1  }
0x97: {  	v22 =	vsel vm0, $0x1, v3  }
0x98: {  	(xrf0) =	vadd.scan.msk.s32 $0xffff, v22;
	_ =	sdelay $0x5  }
0x99: {  	v23, _, _ =	vpop (xrf0)  }
0x9a: {  	(v2sf) =	vpush v23, $0xF;
	_ =	sdelay $0xe  }
0x9b: {  	s29 =	spop (v2sf)  }
0x9c: {  	p1 =	slt.s32 s29, $0x1  }
.Ltmp7:
0x9d: {  	_ = 	snop;
	(pc) =	sbr.rel @p1 .LBB2_12-.Ltmp7, $2  }
0x9e: {  	_ =	sdelay $0x2  }
0x9f: {  	s26 =	sadd.s32 s26, s28  }
0xa0: {  	v24 =	vmov s26  }
0xa1: {  	v24 =	vadd.s32 $0xFFFFFFFF, v24  }
0xa2: {  	v24 =	vbroadcast v24, $0x0;
	_ =	sdelay $0x1  }
0xa3: {  	v23 =	vadd.s32 v23, v24;
	_ =	sdelay $0x1  }
0xa4: {  	p1 =	seq.s32 s29, $0x1  }
.Ltmp8:
0xa5: {  	_ = 	snop;
	(pc) =	sbr.rel @p1 .LBB2_11-.Ltmp8, $4  }
0xa6: {  	_ = 	snop  }
0xa7: {  	[tilespmem:v23+s15+$0x0] =	vst.idx.msk vm0, v21  }
0xa8: {  	[tilespmem:v23+s16+$0x0] =	vst.idx.msk vm0, v20  }
0xa9: {  	[tilespmem:$0xD900] =	vst v22  }
0xaa: {  	_ =	sdelay $0x1  }
0xab: {  	v23 =	vnsel vm0, $0xFFFFFFFF, v21;
	v53 =	vld [tilespmem:$0x1FFC0]  }
0xac: {  	v54 =	vld [tilespmem:$0x1FFD0];
	[tilespmem:$0xD880] =	vst v23  }
0xad: {  	v23 =	vld.idx.msk [tilespmem:v4+s18+$0x0], $0xffff  }
0xae: {  	v24 =	vld.idx.msk [tilespmem:v5+s18+$0x0], $0xffff  }
0xaf: {  	v56 =	vld [tilespmem:$0x1FFE0]  }
0xb0: {  	v25 =	vld.idx.msk [tilespmem:v6+s18+$0x0], $0xffff  }
0xb1: {  	v59 =	vld [tilespmem:$0x1FFF0]  }
0xb2: {  	v26 =	vld.idx.msk [tilespmem:v7+s18+$0x0], $0xffff;
	vm1 =	veq.s32 v23, v21  }
0xb3: {  	v27 =	vld.idx.msk [tilespmem:v8+s18+$0x0], $0xffff;
	vm15 =	vnez.u8 v53;
	vm2 =	veq.s32 v24, v21;
	vm1 =	vmand vm0, vm1  }
0xb4: {  	v23 =	vld.idx.msk [tilespmem:v9+s18+$0x0], $0xffff;
	vm2 =	vmand vm0, vm2;
	vm1 =	vmand vm1, vm15;
	vm15 =	vnez.u8 v54  }
0xb5: {  	vm3 =	veq.s32 v25, v21;
	vm2 =	vmand vm2, vm15  }
0xb6: {  	v55 =	vld.idx.msk [tilespmem:v10+s18+$0x0], $0xffff;
	vm3 =	vmand vm0, vm3;
	vm1 =	vmor vm1, vm2;
	vm2 =	vnez.u8 v56  }
0xb7: {  	v57 =	vld.idx.msk [tilespmem:v11+s18+$0x0], $0xffff;
	vm15 =	vnez.u8 v59;
	vm2 =	vmand vm3, vm2;
	vm3 =	veq.s32 v26, v21  }
0xb8: {  	v58 =	vld.idx.msk [tilespmem:v12+s18+$0x0], $0xffff;
	vm1 =	vmor vm1, vm2;
	vm2 =	vmand vm0, vm3;
	vm3 =	veq.s32 v27, v21  }
0xb9: {  	vm2 =	vmand vm2, vm15;
	vm3 =	vmand vm0, vm3;
	vm15 =	veq.s32 v23, v21  }
0xba: {  	v23 =	vld.idx.msk [tilespmem:v13+s18+$0x0], $0xffff;
	vm1 =	vmor vm1, vm2;
	vm2 =	vmand vm3, vm4;
	vm3 =	vmand vm0, vm15  }
0xbb: {  	v60 =	vld.idx.msk [tilespmem:v14+s18+$0x0], $0xffff;
	vm1 =	vmor vm1, vm2;
	vm2 =	vmand vm3, vm5;
	vm3 =	veq.s32 v55, v21  }
0xbc: {  	v61 =	vld.idx.msk [tilespmem:v15+s18+$0x0], $0xffff;
	vm1 =	vmor vm1, vm2;
	vm2 =	vmand vm0, vm3;
	vm3 =	veq.s32 v57, v21  }
0xbd: {  	vm15 =	veq.s32 v58, v21;
	vm2 =	vmand vm2, vm6;
	vm3 =	vmand vm0, vm3  }
0xbe: {  	v62 =	vld.idx.msk [tilespmem:v16+s18+$0x0], $0xffff;
	vm1 =	vmor vm1, vm2;
	vm2 =	vmand vm3, vm7;
	vm3 =	vmand vm0, vm15  }
0xbf: {  	vm1 =	vmor vm1, vm2;
	vm2 =	vmand vm3, vm8;
	vm3 =	veq.s32 v23, v21;
	v23 =	vld.idx.msk [tilespmem:v17+s18+$0x0], $0xffff  }
0xc0: {  	v63 =	vld.idx.msk [tilespmem:v18+s18+$0x0], $0xffff;
	vm1 =	vmor vm1, vm2;
	vm2 =	vmand vm0, vm3;
	vm3 =	veq.s32 v60, v21  }
0xc1: {  	vm15 =	veq.s32 v61, v21;
	vm2 =	vmand vm2, vm9;
	vm3 =	vmand vm0, vm3  }
0xc2: {  	vm1 =	vmor vm1, vm2;
	vm2 =	vmand vm3, vm10;
	vm3 =	vmand vm0, vm15  }
0xc3: {  	vm15 =	veq.s32 v62, v21;
	vm1 =	vmor vm1, vm2;
	vm2 =	vmand vm3, vm11  }
0xc4: {  	vm3 =	veq.s32 v23, v21;
	vm1 =	vmor vm1, vm2;
	vm2 =	vmand vm0, vm15  }
0xc5: {  	vm15 =	veq.s32 v63, v21;
	vm2 =	vmand vm2, vm12;
	vm3 =	vmand vm0, vm3  }
.Ltmp9:
0xc6: {  	vm1 =	vmor vm1, vm2;
	vm2 =	vmand vm3, vm13;
	vm3 =	vmand vm0, vm15;
	(pc) =	sbr.rel .LBB2_11-.Ltmp9, $4  }
0xc7: {  	vm1 =	vmor vm1, vm2;
	vm2 =	vmand vm3, vm14  }
0xc8: {  	vm1 =	vmor vm1, vm2  }
0xc9: {  	v22 =	vsel vm1, $0x0, v22;
	vm1 =	vmneg vm1  }
0xca: {  	vm0 =	vmand vm1, vm0;
	[tilespmem:$0xD900] =	vst v22  }
.LBB2_13:
0xcb: {  	s5 =	sadd.s32 $0xF, s26  }
0xcc: {  	p1 =	slt.s32 s5, $0x10  }
.Ltmp10:
0xcd: {  	_ = 	snop;
	(pc) =	sbr.rel @p1 .LBB2_24-.Ltmp10, $2  }
0xce: {  	_ =	sdelay $0x2  }
0xcf: {  	s3 =	simm.s32 $0x0;
	s0 =	simm.s32 $0x0;
	s24 =	simm.s32 $0x0  }
0xd0: {  	s0 =	sshra.s32 s5, $0x1F  }
0xd1: {  	s0 =	sshrl.u32 s0, $0x1C  }
0xd2: {  	s0 =	sadd.s32 s0, s5  }
0xd3: {  	s0 =	sshra.s32 s0, $0x4  }
0xd4: {  	p4 =	sne.s32 s0, $0x1  }
.Ltmp11:
0xd5: {  	_ = 	snop;
	(pc) =	sbr.rel @!p4 .LBB2_15-.Ltmp11, $3  }
0xd6: {  	_ =	sdelay $0x1  }
0xd7: {  	s24 =	simm.s32 $0x0;
	p1 =	por $0x0, $0x0  }
0xd8: {  	v20 =	vmov s26;
	p2 =	por $0x0, $0x0;
	p3 =	por $0x0, $0x0;
	s0 =	sadd.s32 $0xFFFFFFFF, s0  }
0xd9: {  	p4 =	sne.s32 s0, $0x1  }
.Ltmp12:
0xda: {  	_ = 	snop;
	(pc) =	sbr.rel @!p4 .LBB2_17-.Ltmp12, $3  }
0xdb: {  	_ =	sdelay $0x1  }
0xdc: {  	v23 =	vor.u32 s24, v2  }
0xdd: {  	s0 =	sadd.s32 $0xFFFFFFFF, s0;
	p1 =	por $0x1, $0x1;
	vm15 =	vlt.s32 v23, v20  }
0xde: {  	_ =	sdelay $0x4  }
0xdf: {  	v22 =	vld.idx.msk [tilespmem:v23+s15+$0x0], vm15;
	_ =	sdelay $0x4  }
0xe0: {  	v21 =	vsub.s32 v22, v0  }
0xe1: {  	v21 =	vnsel vm15, $0x0, v21;
	_ =	sdelay $0x3  }
0xe2: {  	v24 =	vld.idx.msk [tilespmem:v23+s16+$0x0], vm15  }
0xe3: {  	v21 =	vld.idx.msk [tilespmem:v21+s17+$0x0], vm15;
	_ =	sdelay $0x4  }
0xe4: {  	vm0 =	veq.s32 v21, v24  }
0xe5: {  	vm2 =	vmand vm15, vm0  }
0xe6: {  	v21 =	vsel vm2, $0x1, v3  }
0xe7: {  	(xrf0) =	vadd.scan.msk.s32 $0xffff, v21;
	_ =	sdelay $0x2  }
0xe8: {  	v21 =	vmov s24  }
0xe9: {  	v21 =	vadd.s32 $0xFFFFFFFF, v21  }
0xea: {  	v23 =	vnsel vm2, $0x7FFFFFFF, v19;
	v21 =	vbroadcast v21, $0x0  }
0xeb: {  	(xrf0) =	vmax.scan.msk.u32 $0xffff, v23;
	v25, _, _ =	vpop (xrf0)  }
0xec: {  	v26 =	vadd.s32 v25, v21  }
0xed: {  	p4 =	sne.s32 s0, $0x1  }
.Ltmp13:
0xee: {  	_ = 	snop;
	(pc) =	sbr.rel @!p4 .LBB2_19-.Ltmp13, $4  }
0xef: {  	s28 =	simm.s32 $0x10  }
0xf0: {  	v23 =	vor.u32 s28, v2  }
0xf1: {  	vm15 =	vlt.s32 v23, v20;
	(v2sf) =	vpush v25, $0xF;
	v63, _, _ =	vpop (xrf0);
	[tilespmem:v26+s15+$0x0] =	vst.idx.msk vm2, v22  }
0xf2: {  	s0 =	sadd.s32 $0xFFFFFFFF, s0;
	p2 =	por $0x1, $0x1;
	v21 =	vxor.u32 $0x80000000, v22;
	(v2sf) =	vpush v63, $0xF;
	v22 =	vxor.u32 $0x80000000, v24;
	[tilespmem:v26+s16+$0x0] =	vst.idx.msk vm2, v24  }
0xf3: {  	_ =	sdelay $0x4  }
0xf4: {  	v25 =	vld.idx.msk [tilespmem:v23+s15+$0x0], vm15;
	_ =	sdelay $0x4  }
0xf5: {  	v24 =	vsub.s32 v25, v0  }
0xf6: {  	v24 =	vnsel vm15, $0x0, v24;
	_ =	sdelay $0x2  }
0xf7: {  	s3 =	spop (v2sf)  }
0xf8: {  	v26 =	vld.idx.msk [tilespmem:v23+s16+$0x0], vm15;
	s5 =	spop (v2sf)  }
0xf9: {  	v23 =	vld.idx.msk [tilespmem:v24+s17+$0x0], vm15;
	s5 =	sxor.u32 $0x80000000, s5  }
0xfa: {  	v24 =	vmov s5  }
0xfb: {  	vm0 =	veq.s32 v24, v2  }
0xfc: {  	vm0 =	vmand vm2, vm0  }
0xfd: {  	v24 =	vnsel vm0, $0x7FFFFFFF, v21  }
0xfe: {  	vm1 =	veq.s32 v23, v26;
	v23 =	vnsel vm0, $0x7FFFFFFF, v22;
	(xrf0) =	vmax.scan.msk.u32 $0xffff, v24  }
0xff: {  	(xrf0) =	vmax.scan.msk.u32 $0xffff, v23;
	_ =	sdelay $0x2  }
0x100: {  	vm0 =	vmand vm15, vm1  }
0x101: {  	v23 =	vsel vm0, $0x1, v3  }
0x102: {  	v27 =	vnsel vm0, $0x7FFFFFFF, v19;
	(xrf0) =	vadd.scan.msk.s32 $0xffff, v23;
	v24, _, _ =	vpop (xrf0)  }
0x103: {  	(xrf0) =	vmax.scan.msk.u32 $0xffff, v27;
	v28, _, _ =	vpop (xrf0);
	(v2sf) =	vpush v24, $0xF  }
0x104: {  	s29 =	sadd.s32 $0x0, s3;
	(v2sf) =	vpush v28, $0xF  }
0x105: {  	v23 =	vmov s29  }
0x106: {  	v23 =	vadd.s32 $0xFFFFFFFF, v23  }
0x107: {  	v23 =	vbroadcast v23, $0x0  }
0x108: {  	s28 =	simm.s32 $0x20;
	v27, _, _ =	vpop (xrf0)  }
0x109: {  	v29 =	vadd.s32 v27, v23;
	v23 =	vor.u32 s28, v2;
	(v2sf) =	vpush v27, $0xF;
	v27, _, _ =	vpop (xrf0)  }
0x10a: {  	p5 =	sne.s32 s0, $0x1;
	vm15 =	vlt.s32 v23, v20;
	(v2sf) =	vpush v27, $0xF  }
.Ltmp14:
0x10b: {  	_ = 	snop;
	(pc) =	sbr.rel @!p5 .LBB2_21-.Ltmp14, $3  }
0x10c: {  	_ =	sdelay $0x1  }
0x10d: {  	p3 =	por $0x1, $0x1;
	s25 =	simm.s32 $0x0;
	[tilespmem:v29+s15+$0x0] =	vst.idx.msk vm0, v25  }
0x10e: {  	s26 =	simm.s32 $0x0;
	p4 =	sgt.s32 s3, $0x0;
	s5 =	sadd.s32 $0xFFFFFFFF, s0;
	v24 =	vxor.u32 $0x80000000, v25;
	v25 =	vxor.u32 $0x80000000, v26;
	[tilespmem:v29+s16+$0x0] =	vst.idx.msk vm0, v26  }
.LBB2_22:
0x10f: {  	p5 =	sne.s32 s5, $0x1;
	v26 =	vld.idx.msk [tilespmem:v23+s15+$0x0], vm15;
	_ =	sdelay $0x1  }
0x110: {  	s0 =	spop (v2sf)  }
0x111: {  	s0 =	sxor.u32 $0x80000000, s0;
	s3 =	spop (v2sf)  }
0x112: {  	s3 =	sxor.u32 $0x80000000, s3;
	s25 =	smov.u32 @p4 s0  }
0x113: {  	s26 =	smov.u32 @p4 s3  }
0x114: {  	v27 =	vsub.s32 v26, v0;
	v28 =	vxor.u32 $0x80000000, v26  }
0x115: {  	v27 =	vnsel vm15, $0x0, v27  }
0x116: {  	s0 =	spop (v2sf)  }
0x117: {  	p4 =	sgt.s32 s0, $0x0;
	s29 =	sadd.s32 s29, s0;
	s0 =	spop (v2sf)  }
0x118: {  	v29 =	vmov s29;
	s0 =	sxor.u32 $0x80000000, s0  }
0x119: {  	v30 =	vld.idx.msk [tilespmem:v23+s16+$0x0], vm15;
	v23 =	vadd.s32 $0xFFFFFFFF, v29;
	v29 =	vmov s0  }
0x11a: {  	v27 =	vld.idx.msk [tilespmem:v27+s17+$0x0], vm15;
	v31 =	vbroadcast v23, $0x0;
	vm1 =	veq.s32 v29, v2  }
0x11b: {  	vm0 =	vmand vm0, vm1  }
0x11c: {  	v23 =	vnsel vm0, $0x7FFFFFFF, v24;
	v25 =	vnsel vm0, $0x7FFFFFFF, v25;
	v24 =	vmov v28  }
0x11d: {  	(xrf0) =	vmax.scan.msk.u32 $0xffff, v23  }
0x11e: {  	(xrf0) =	vmax.scan.msk.u32 $0xffff, v25  }
0x11f: {  	v25 =	vxor.u32 $0x80000000, v30  }
0x120: {  	vm0 =	veq.s32 v27, v30  }
0x121: {  	vm0 =	vmand vm15, vm0  }
0x122: {  	v28 =	vsel vm0, $0x1, v3;
	v27 =	vnsel vm0, $0x7FFFFFFF, v19  }
0x123: {  	(xrf0) =	vadd.scan.msk.s32 $0xffff, v28;
	v23, _, _ =	vpop (xrf0)  }
0x124: {  	(xrf0) =	vmax.scan.msk.u32 $0xffff, v27;
	(v2sf) =	vpush v23, $0xF;
	v23, _, _ =	vpop (xrf0)  }
0x125: {  	(v2sf) =	vpush v23, $0xF;
	_ =	sdelay $0x3  }
0x126: {  	s28 =	sadd.s32 $0x10, s28;
	v27, _, _ =	vpop (xrf0)  }
0x127: {  	v23 =	vor.u32 s28, v2;
	v28 =	vadd.s32 v27, v31;
	(v2sf) =	vpush v27, $0xF;
	v27, _, _ =	vpop (xrf0)  }
0x128: {  	vm15 =	vlt.s32 v23, v20;
	(v2sf) =	vpush v27, $0xF  }
.Ltmp15:
0x129: {  	(pc) =	sbr.rel @p5 .LBB2_22-.Ltmp15, $3  }
0x12a: {  	_ =	sdelay $0x1  }
0x12b: {  	[tilespmem:v28+s15+$0x0] =	vst.idx.msk vm0, v26  }
0x12c: {  	s5 =	sadd.s32 $0xFFFFFFFF, s5;
	[tilespmem:v28+s16+$0x0] =	vst.idx.msk vm0, v30  }
.LBB2_23:
0x12d: {  	_ =	sdelay $0x4  }
0x12e: {  	v26 =	vld.idx.msk @p1 [tilespmem:v23+s15+$0x0], vm15;
	_ =	sdelay $0x4  }
0x12f: {  	v27 =	vsub.s32 @p1 v26, v0  }
0x130: {  	v27 =	vnsel @p1 vm15, $0x0, v27;
	_ =	sdelay $0x1  }
0x131: {  	s5 =	spop @p3 (v2sf)  }
0x132: {  	s31 =	spop @p3 (v2sf)  }
0x133: {  	v23 =	vld.idx.msk @p1 [tilespmem:v23+s16+$0x0], vm15;
	s30 =	spop @p2 (v2sf)  }
0x134: {  	s0 =	spop @p2 (v2sf);
	v27 =	vld.idx.msk @p1 [tilespmem:v27+s17+$0x0], vm15  }
0x135: {  	s0 =	sxor.u32 @p2 $0x80000000, s0  }
0x136: {  	v28 =	vmov @p2 s0  }
0x137: {  	vm1 =	veq.s32 @p2 v28, v2  }
0x138: {  	vm0 =	vmand @p2 vm0, vm1  }
0x139: {  	v24 =	vnsel @p2 vm0, $0x7FFFFFFF, v24;
	vm1 =	veq.s32 @p1 v27, v23  }
0x13a: {  	v25 =	vnsel @p2 vm0, $0x7FFFFFFF, v25;
	(xrf0) =	vmax.scan.msk.u32 @p2 $0xffff, v24;
	vm0 =	vmand @p1 vm15, vm1  }
0x13b: {  	s0 =	sadd.s32 @p2 s29, s30;
	s29 =	simm.s32 $0x0;
	(xrf0) =	vmax.scan.msk.u32 @p2 $0xffff, v25;
	v24 =	vsel @p1 vm0, $0x1, v3  }
0x13c: {  	s29 =	smov.u32 @p2 s0;
	(xrf0) =	vadd.scan.msk.s32 @p1 $0xffff, v24  }
0x13d: {  	v25 =	vmov @p1 s29  }
0x13e: {  	v24 =	vnsel @p1 vm0, $0x7FFFFFFF, v19  }
0x13f: {  	(xrf0) =	vmax.scan.msk.u32 @p1 $0xffff, v24  }
0x140: {  	v24 =	vadd.s32 @p1 $0xFFFFFFFF, v25;
	v25, _, _ =	vpop @p2 (xrf0)  }
0x141: {  	s3 =	simm.s32 $0x0;
	s0 =	sadd.s32 @p1 $0x10, s28;
	v24 =	vbroadcast @p1 v24, $0x0;
	v27, _, _ =	vpop @p2 (xrf0)  }
0x142: {  	s3 =	smov.u32 @p1 s0;
	v28, _, _ =	vpop @p1 (xrf0)  }
0x143: {  	v54 =	vor.u32 s3, v2;
	(v2sf) =	vpush @p2 v25, $0xF;
	v24 =	vadd.s32 @p1 v28, v24  }
0x144: {  	vm1 =	vlt.s32 v54, v20;
	(v2sf) =	vpush @p2 v27, $0xF  }
0x145: {  	(v2sf) =	vpush @p1 v28, $0xF;
	v20, _, _ =	vpop @p1 (xrf0)  }
0x146: {  	(v2sf) =	vpush @p1 v20, $0xF;
	_ =	sdelay $0x1  }
0x147: {  	[tilespmem:v24+s15+$0x0] =	vst.idx.msk @p1 vm0, v26  }
0x148: {  	[tilespmem:v24+s16+$0x0] =	vst.idx.msk @p1 vm0, v23  }
0x149: {  	v20 =	vld.idx.msk [tilespmem:v54+s15+$0x0], vm1;
	_ =	sdelay $0x4  }
0x14a: {  	v55 =	vsub.s32 v20, v0  }
0x14b: {  	v24 =	vnsel vm1, $0x0, v55;
	_ =	sdelay $0x1  }
0x14c: {  	s3 =	spop @p2 (v2sf)  }
0x14d: {  	s0 =	spop @p2 (v2sf)  }
0x14e: {  	v25 =	vld.idx.msk [tilespmem:v54+s16+$0x0], vm1;
	s28 =	spop @p1 (v2sf)  }
0x14f: {  	s9 =	spop @p1 (v2sf);
	v24 =	vld.idx.msk [tilespmem:v24+s17+$0x0], vm1  }
0x150: {  	s9 =	sxor.u32 @p1 $0x80000000, s9  }
0x151: {  	v27 =	vmov @p1 s9  }
0x152: {  	vm2 =	vmmov @p1 vm0;
	v26 =	vxor.u32 @p1 $0x80000000, v26;
	vm0 =	veq.s32 @p1 v27, v2  }
0x153: {  	v23 =	vxor.u32 @p1 $0x80000000, v23;
	v21 =	vpsel p1, v26, v21;
	vm0 =	vmand @p1 vm2, vm0  }
0x154: {  	v22 =	vpsel p1, v23, v22;
	v21 =	vnsel @p1 vm0, $0x7FFFFFFF, v21;
	vm2 =	veq.s32 v24, v25  }
0x155: {  	v22 =	vnsel @p1 vm0, $0x7FFFFFFF, v22;
	(xrf0) =	vmax.scan.msk.u32 @p1 $0xffff, v21;
	vm0 =	vmand vm1, vm2  }
0x156: {  	(xrf0) =	vmax.scan.msk.u32 @p1 $0xffff, v22;
	v56 =	vsel vm0, $0x1, v3  }
0x157: {  	v57 =	vnsel vm0, $0x7FFFFFFF, v19;
	(xrf0) =	vadd.scan.msk.s32 $0xffff, v56  }
0x158: {  	(xrf0) =	vmax.scan.msk.u32 $0xffff, v57;
	_ =	sdelay $0x2  }
0x159: {  	v21, _, _ =	vpop @p1 (xrf0)  }
0x15a: {  	(v2sf) =	vpush @p1 v21, $0xF;
	v21, _, _ =	vpop @p1 (xrf0)  }
0x15b: {  	(v2sf) =	vpush @p1 v21, $0xF;
	v58, _, _ =	vpop (xrf0)  }
0x15c: {  	(v2sf) =	vpush v58, $0xF;
	v22, _, _ =	vpop (xrf0)  }
0x15d: {  	(v2sf) =	vpush v22, $0xF;
	_ =	sdelay $0xb  }
0x15e: {  	s9 =	spop @p1 (v2sf)  }
0x15f: {  	s10 =	spop @p1 (v2sf)  }
0x160: {  	s11 =	spop (v2sf)  }
0x161: {  	s12 =	spop (v2sf)  }
0x162: {  	s12 =	sxor.u32 $0x80000000, s12  }
0x163: {  	v59 =	vmov s12  }
0x164: {  	vm1 =	veq.s32 v59, v2  }
0x165: {  	v60 =	vxor.u32 $0x80000000, v20;
	vm1 =	vmand vm0, vm1  }
0x166: {  	v61 =	vxor.u32 $0x80000000, v25;
	v22 =	vnsel vm1, $0x7FFFFFFF, v60  }
0x167: {  	v23 =	vnsel vm1, $0x7FFFFFFF, v61;
	(xrf0) =	vmax.scan.msk.u32 $0xffff, v22  }
0x168: {  	(xrf0) =	vmax.scan.msk.u32 $0xffff, v23;
	_ =	sdelay $0x4  }
0x169: {  	v22, _, _ =	vpop (xrf0)  }
0x16a: {  	(v2sf) =	vpush v22, $0xF;
	v62, _, _ =	vpop (xrf0)  }
0x16b: {  	(v2sf) =	vpush v62, $0xF;
	_ =	sdelay $0x2  }
0x16c: {  	p4 =	por !p4, !p3;
	s5 =	sxor.u32 @p3 $0x80000000, s5  }
0x16d: {  	s5 =	smov.u32 @p4 s25;
	s12 =	sxor.u32 @p3 $0x80000000, s31  }
0x16e: {  	s25 =	sadd.s32 @p1 s29, s28;
	s12 =	smov.u32 @p4 s26;
	s26 =	simm.s32 $0x0  }
0x16f: {  	s26 =	smov.u32 @p1 s25  }
0x170: {  	s3 =	sxor.u32 @p2 $0x80000000, s3;
	s0 =	sxor.u32 @p2 $0x80000000, s0;
	p4 =	sgt.s32 @p2 s30, $0x0;
	v63 =	vmov s26  }
0x171: {  	s9 =	sxor.u32 @p1 $0x80000000, s9;
	s25 =	simm.s32 $0x0;
	p4 =	por @!p2 p0, p0;
	v22 =	vadd.s32 $0xFFFFFFFF, v63  }
0x172: {  	s25 =	smov.u32 @p3 s5;
	s5 =	simm.s32 $0x0;
	p4 =	por !p4, !p2;
	v22 =	vbroadcast v22, $0x0  }
0x173: {  	s5 =	smov.u32 @p3 s12;
	s3 =	smov.u32 @p4 s25;
	p3 =	sgt.s32 @p1 s28, $0x0  }
0x174: {  	s0 =	smov.u32 @p4 s5;
	s5 =	simm.s32 $0x0;
	p3 =	por @!p1 p0, p0;
	v21 =	vadd.s32 v58, v22  }
0x175: {  	s5 =	smov.u32 @p2 s3;
	s3 =	simm.s32 $0x0;
	p3 =	por !p3, !p1  }
0x176: {  	s10 =	sxor.u32 @p1 $0x80000000, s10;
	s3 =	smov.u32 @p2 s0;
	s9 =	smov.u32 @p3 s5  }
0x177: {  	s0 =	simm.s32 $0x0;
	p2 =	sgt.s32 s11, $0x0;
	s30 =	spop (v2sf)  }
0x178: {  	s10 =	smov.u32 @p3 s3;
	s0 =	smov.u32 @p1 s9;
	s31 =	spop (v2sf)  }
0x179: {  	s24 =	smov.u32 @p1 s10;
	[tilespmem:v21+s15+$0x0] =	vst.idx.msk vm0, v20;
	s9 =	sxor.u32 $0x80000000, s30;
	s5 =	sxor.u32 $0x80000000, s31  }
0x17a: {  	s3 =	sadd.s32 s26, s11;
	[tilespmem:v21+s16+$0x0] =	vst.idx.msk vm0, v25;
	s0 =	smov.u32 @p2 s9;
	s24 =	smov.u32 @p2 s5  }
.LBB2_24:
0x17b: {  	s25 =	sadd.s32 $0x7F, s3  }
0x17c: {  	s5 =	sshra.s32 s25, $0x1F  }
0x17d: {  	s5 =	sshrl.u32 s5, $0x19  }
0x17e: {  	s5 =	sadd.s32 s5, s25  }
0x17f: {  	s26 =	sand.u32 $0xFFFFFF80, s5  }
0x180: {  	s9 =	ssub.s32 s26, s3  }
0x181: {  	s28 =	sadd.s32 $0xF, s9  }
0x182: {  	p1 =	slt.s32 s28, $0x10  }
.Ltmp16:
0x183: {  	_ = 	snop;
	(pc) =	sbr.rel @p1 .LBB2_28-.Ltmp16, $1  }
0x184: {  	_ =	sdelay $0x3  }
0x185: {  	s9 =	sshra.s32 s28, $0x1F  }
0x186: {  	s9 =	sshrl.u32 s9, $0x1C  }
0x187: {  	s9 =	sadd.s32 s9, s28  }
0x188: {  	s9 =	sshra.s32 s9, $0x4  }
0x189: {  	v21 =	vmov s26;
	v20 =	vadd.s32 s3, v2;
	p1 =	sne.s32 s9, $0x1  }
.Ltmp17:
0x18a: {  	vm0 =	vlt.s32 v20, v21;
	(pc) =	sbr.rel @!p1 .LBB2_27-.Ltmp17, $2  }
0x18b: {  	vm15 =	vmmov vm0;
	_ =	sdelay $0x2  }
0x18c: {  	v22 =	vmov s0;
	v23 =	vmov s24;
	s3 =	sadd.s32 $0x10, s3;
	s0 =	sadd.s32 $0xFFFFFFFF, s9  }
.LBB2_26:
0x18d: {  	v24 =	vadd.s32 s3, v2;
	p1 =	sne.s32 s0, $0x1  }
.Ltmp18:
0x18e: {  	s0 =	sadd.s32 $0xFFFFFFFF, s0;
	[tilespmem:v20+s15+$0x0] =	vst.idx.msk vm0, v22;
	vm0 =	vlt.s32 v24, v21;
	(pc) =	sbr.rel @p1 .LBB2_26-.Ltmp18, $2  }
0x18f: {  	[tilespmem:v20+s16+$0x0] =	vst.idx.msk vm15, v23;
	v20 =	vmov v24;
	vm15 =	vmmov vm0;
	_ =	sdelay $0x2  }
0x190: {  	s3 =	sadd.s32 $0x10, s3  }
.LBB2_27:
0x191: {  	_ =	sdelay $0x4  }
0x192: {  	[tilespmem:v20+s15+$0x0] =	vst.idx.msk vm0, v22  }
0x193: {  	[tilespmem:v20+s16+$0x0] =	vst.idx.msk vm15, v23  }
.LBB2_28:
0x194: {  	_ =	swait.ge [sflag:s19], $0x7000  }
0x195: {  	s0 =	simm.s32 @p0 $0x0;
	[sflag:s19] =	ssyncset.done $0x0  }
0x196: {  	s3 =	simm.s32 @p0 $0xD980;
	s9 =	rddreg [dreg:$0x7];
	[sflag:s19] =	ssyncadd.s32 $0xFFFF9000  }
0x197: {  	[tilespmem:s3], [sflag:$0x5] =	stream.linear.gather @p0 [hbm4b:s9+s0], $0x800, $0x38;
	[tilespmem:$0x1B980] =	vst v63  }
0x198: {  	s9 =	simm.s32 @p0 $0x5  }
0x199: {  	_ =	swait.ge @p0 [sflag:s9], $0x800  }
0x19a: {  	[sflag:s9] =	ssyncset.done @p0 $0x0  }
0x19b: {  	s10 =	rddreg [dreg:$0x8];
	[sflag:s9] =	ssyncadd.s32 @p0 $0xFFFFF800  }
0x19c: {  	[hbm4b:s10+s0] =	stream.linear.scatter @p0 [tilespmem:s3], [sflag:$0x5], $0x800, $0x38;
	[tilespmem:$0x1B980] =	vst v63  }
0x19d: {  	_ =	swait.ge @p0 [sflag:s9], $0x800  }
0x19e: {  	s0 =	simm.s32 @!p0 $0x0;
	[sflag:s9] =	ssyncset.done @p0 $0x0  }
0x19f: {  	s3 =	simm.s32 @!p0 $0xD980;
	[sflag:s9] =	ssyncadd.s32 @p0 $0xFFFFF800;
	s9 =	rddreg [dreg:$0x5]  }
0x1a0: {  	[tilespmem:s3], [sflag:$0x5] =	stream.linear.gather @!p0 [hbm4b:s9+s0], $0x6800, $0x38;
	[tilespmem:$0x1B980] =	vst v63  }
0x1a1: {  	s9 =	simm.s32 @!p0 $0x5  }
0x1a2: {  	_ =	swait.ge @!p0 [sflag:s9], $0x6800  }
0x1a3: {  	p1 =	slt.s32 s25, $0x80;
	[sflag:s9] =	ssyncset.done @!p0 $0x0  }
.Ltmp19:
0x1a4: {  	s10 =	rddreg [dreg:$0x6];
	[sflag:s9] =	ssyncadd.s32 @!p0 $0xFFFF9800;
	(pc) =	sbr.rel @p1 .LBB2_32-.Ltmp19, $4  }
0x1a5: {  	[hbm4b:s10+s0] =	stream.linear.scatter @!p0 [tilespmem:s3], [sflag:$0x5], $0x6800, $0x38;
	[tilespmem:$0x1B980] =	vst v63  }
0x1a6: {  	_ =	swait.ge @!p0 [sflag:s9], $0x6800  }
0x1a7: {  	[sflag:s9] =	ssyncset.done @!p0 $0x0  }
0x1a8: {  	[sflag:s9] =	ssyncadd.s32 @!p0 $0xFFFF9800  }
0x1a9: {  	[tilespmem:s21], [sflag:$0x1] =	stream.indirect.gather [hbm4b:s4+s20], $0x80, s16, s20, $0xb8;
	[tilespmem:$0x1B980] =	vst v63  }
0x1aa: {  	s24 =	sshra.s32 s5, $0x7;
	_ =	swait.ge [sflag:s22], $0x4000  }
0x1ab: {  	s5 =	simm.s32 $0x4000;
	s3 =	simm.s32 $0x8080;
	[sflag:s22] =	ssyncset.done $0x0  }
0x1ac: {  	s0 =	sadd.s32 $0x1, s24;
	p1 =	sle.s32 s24, $0x1;
	[sflag:s22] =	ssyncadd.s32 $0xFFFFC000  }
0x1ad: {  	[hbm4b:s6+s20] =	stream.indirect.scatter [tilespmem:s21], [sflag:$0x3], $0x80, s5, s20, $0xb8;
	[tilespmem:$0x1B980] =	vst v63  }
0x1ae: {  	s9 =	simm.s32 @!p1 $0x80;
	s10 =	simm.s32 @!p1 $0x14980;
	s11 =	simm.s32 @!p1 $0x3  }
0x1af: {  	[tilespmem:s10], [sflag:$0x2] =	stream.indirect.gather @!p1 [hbm4b:s4+s9], $0x80, s3, s9, $0xb8;
	[tilespmem:$0x1B980] =	vst v63  }
0x1b0: {  	s0 =	sshrl.u32 s0, $0x1;
	_ =	swait.ge @!p1 [sflag:s11], $0x4000  }
0x1b1: {  	s0 =	smax.u32 s0, $0x1;
	[sflag:s11] =	ssyncset.done @!p1 $0x0  }
0x1b2: {  	s25 =	sadd.s32 $0xFFFFFFFF, s0;
	s0 =	simm.s32 @!p1 $0x2;
	[sflag:s11] =	ssyncadd.s32 @!p1 $0xFFFFC000  }
0x1b3: {  	p2 =	sle.s32 @!p1 s24, $0x2;
	_ =	swait.ge @!p1 [sflag:s0], $0x4000  }
0x1b4: {  	s26 =	simm.s32 @!p1 $0x4;
	p3 =	por !p2, p1;
	[sflag:s0] =	ssyncset.done @!p1 $0x0  }
0x1b5: {  	s26 =	simm.s32 @p3 $0x4;
	[sflag:s0] =	ssyncadd.s32 @!p1 $0xFFFFC000;
	s0 =	simm.s32 @!p1 $0x4080  }
0x1b6: {  	[hbm4b:s6+s9] =	stream.indirect.scatter @!p1 [tilespmem:s10], [sflag:$0x4], $0x80, s0, s9, $0xb8;
	[tilespmem:$0x1B980] =	vst v63  }
0x1b7: {  	p2 =	por p2, p1;
	s26 =	simm.s32 @p1 $0x3;
	p1 =	sne.s32 s25, $0x0  }
.Ltmp20:
0x1b8: {  	_ = 	snop;
	(pc) =	sbr.rel @!p1 .LBB2_31-.Ltmp20, $4  }
0x1b9: {  	s3 =	simm.s32 @!p2 $0xD980;
	s0 =	simm.s32 @!p2 $0x8100;
	s9 =	simm.s32 @!p2 $0x80  }
0x1ba: {  	[tilespmem:s3], [sflag:$0x1] =	stream.indirect.gather @!p2 [hbm4b:s4+s9], $0x80, s0, s9, $0xb8;
	[tilespmem:$0x1B980] =	vst v63  }
0x1bb: {  	_ =	swait.ge [sflag:s26], $0x4000  }
0x1bc: {  	s0 =	simm.s32 $0x8180;
	s3 =	simm.s32 $0x3;
	[sflag:s26] =	ssyncset.done $0x0  }
.LBB2_30:
0x1bd: {  	s25 =	sadd.s32 $0xFFFFFFFF, s25;
	[sflag:s26] =	ssyncadd.s32 $0xFFFFC000;
	s5 =	sadd.s32 $0x100, s5  }
0x1be: {  	p1 =	sne.s32 s25, $0x0  }
0x1bf: {  	_ =	swait.ge [sflag:s22], $0x4000  }
0x1c0: {  	[sflag:s22] =	ssyncset.done $0x0  }
0x1c1: {  	p2 =	sge.s32 s3, s24;
	[sflag:s22] =	ssyncadd.s32 $0xFFFFC000  }
0x1c2: {  	[hbm4b:s6+s20] =	stream.indirect.scatter [tilespmem:s21], [sflag:$0x3], $0x80, s5, s20, $0xb8;
	[tilespmem:$0x1B980] =	vst v63  }
0x1c3: {  	s9 =	simm.s32 @!p2 $0x80;
	s10 =	simm.s32 @!p2 $0x14980;
	s11 =	simm.s32 @!p2 $0x3  }
0x1c4: {  	[tilespmem:s10], [sflag:$0x2] =	stream.indirect.gather @!p2 [hbm4b:s4+s9], $0x80, s0, s9, $0xb8;
	[tilespmem:$0x1B980] =	vst v63  }
0x1c5: {  	s12 =	sadd.s32 @!p2 $0x1, s3;
	_ =	swait.ge @!p2 [sflag:s11], $0x4000  }
0x1c6: {  	p4 =	sge.s32 @!p2 s12, s24;
	[sflag:s11] =	ssyncset.done @!p2 $0x0  }
0x1c7: {  	p3 =	por p4, p2;
	[sflag:s11] =	ssyncadd.s32 @!p2 $0xFFFFC000;
	s11 =	simm.s32 @!p2 $0x2  }
0x1c8: {  	s26 =	simm.s32 @!p2 $0x4;
	p4 =	por !p4, p2;
	_ =	swait.ge @!p2 [sflag:s11], $0x4000  }
0x1c9: {  	s26 =	simm.s32 @p4 $0x4;
	[sflag:s11] =	ssyncset.done @!p2 $0x0  }
0x1ca: {  	s12 =	simm.s32 @!p3 $0xD980;
	[sflag:s11] =	ssyncadd.s32 @!p2 $0xFFFFC000;
	s11 =	sadd.s32 @!p2 $0x80, s5  }
0x1cb: {  	[hbm4b:s6+s9] =	stream.indirect.scatter @!p2 [tilespmem:s10], [sflag:$0x4], $0x80, s11, s9, $0xb8;
	[tilespmem:$0x1B980] =	vst v63  }
.Ltmp21:
0x1cc: {  	_ = 	snop;
	(pc) =	sbr.rel @p1 .LBB2_30-.Ltmp21, $4  }
0x1cd: {  	s26 =	simm.s32 @p2 $0x3;
	s9 =	sadd.s32 @!p3 $0x80, s0;
	s10 =	simm.s32 @!p3 $0x80  }
0x1ce: {  	[tilespmem:s12], [sflag:$0x1] =	stream.indirect.gather @!p3 [hbm4b:s4+s10], $0x80, s9, s10, $0xb8;
	[tilespmem:$0x1B980] =	vst v63  }
0x1cf: {  	_ =	swait.ge [sflag:s26], $0x4000  }
0x1d0: {  	s3 =	sadd.s32 $0x2, s3;
	s0 =	sadd.s32 $0x100, s0;
	[sflag:s26] =	ssyncset.done $0x0  }
.Ltmp22:
0x1d1: {  	_ = 	snop;
	(pc) =	sbr.rel .LBB2_31-.Ltmp22, $1  }
0x1d2: {  	_ =	sdelay $0x3  }
.LBB2_15:
.Ltmp23:
0x1d3: {  	(pc) =	sbr.rel .LBB2_23-.Ltmp23, $3  }
0x1d4: {  	_ =	sdelay $0x1  }
0x1d5: {  	s25 =	simm.s32 $0x0  }
0x1d6: {  	s26 =	simm.s32 $0x0;
	s29 =	simm.s32 $0x0;
	s28 =	simm.s32 $0x0  }
.LBB2_17:
.Ltmp24:
0x1d7: {  	(pc) =	sbr.rel .LBB2_23-.Ltmp24, $3  }
0x1d8: {  	_ =	sdelay $0x1  }
0x1d9: {  	s25 =	simm.s32 $0x0  }
0x1da: {  	s26 =	simm.s32 $0x0;
	s29 =	simm.s32 $0x0;
	s28 =	simm.s32 $0x0  }
.LBB2_19:
.Ltmp25:
0x1db: {  	(pc) =	sbr.rel .LBB2_23-.Ltmp25, $2  }
0x1dc: {  	_ =	sdelay $0x2  }
0x1dd: {  	s25 =	simm.s32 $0x0;
	s26 =	simm.s32 $0x0;
	s29 =	simm.s32 $0x0;
	vm0 =	vmmov vm2;
	v24 =	vmov v21;
	v25 =	vmov v22  }
.LBB2_21:
.Ltmp26:
0x1de: {  	(pc) =	sbr.rel .LBB2_23-.Ltmp26, $2  }
0x1df: {  	_ =	sdelay $0x2  }
0x1e0: {  	s25 =	simm.s32 $0x0;
	s26 =	simm.s32 $0x0  }
.LBB2_33:
0x1e1: {  	_ =	sfence.sel $0x180000  }
0x1e2: {  	[bflag:$0x0] =	sbarrier.arrive $0xFFFF  }
0x1e3: {  	_ =	strace $0x90000047  }
0x1e4: {  	s0 =	stileid.u32;
	[bflag:$0x2] =	sbarrier.arrive $0xFFFF  }
0x1e5: {  	p0 =	sne.s32 s0, $0x0;
	s0 =	rddreg [dreg:$0x4]  }
0x1e6: {  	s0 =	sadd.s32 @!p0 $0x100000, s0  }
0x1e7: {  	[sflag:s0] =	ssyncadd.tile.s32 @!p0 $0x1;
	_ =	shalt  }
.Lfunc_end2:
_tile_overlayer_lowered:
.L_overlay_start_2:
0x1e8: {  	(tag) =	ssettag $0x2  }
0x1e9: {  	s0 =	rddreg [dreg:$0x0];
	s2 =	stileid.u32  }
0x1ea: {  	s1 =	rddreg [dreg:$0x1];
	p0 =	sne.s32 s2, $0x0  }
0x1eb: {  	s3 =	rddreg [dreg:$0x2];
	[bflag:$0x3] =	sbarrier.arrive $0xFFFF;
	s2 =	simm.s32 @!p0 $0x1C05  }
0x1ec: {  	[timem:s3], [sflag:s2] =	dma.local @!p0 [hbm:s0], s1  }
0x1ed: {  	s0 =	simm.s32 @!p0 $0x5  }
0x1ee: {  	_ =	swait.ge @!p0 [sflag:s0], s1  }
0x1ef: {  	s1 =	ssub.s32 @!p0 $0x0, s1;
	[sflag:s0] =	ssyncset.done @!p0 $0x0  }
0x1f0: {  	[sflag:s0] =	ssyncadd.s32 @!p0 s1  }
0x1f1: {  	[bflag:$0x3] =	sbarrier.arrive $0xFFFF  }
0x1f2: {  	_ =	shalt  }

</sc_bundles>
